<compile_context>
chip_gen: v7x
topology: tpu7x:2x2x1
jax: 0.10.2.dev20260603
libtpu: 0.0.44.dev20260713+nightly
codegen_flags: <defaults>
</compile_context>

<pallas_src>
import functools

import jax
import jax.numpy as jnp
from jax import lax
from jax.experimental import pallas as pl
from jax.experimental.pallas import tpu as pltpu
from jax.experimental.pallas import tpu_sc as plsc

_MAX_SEQ_LEN = 8192
_D_MODEL = 512
_BATCH = 32
_SEQ_LEN = 2048

_NUM_CORES = 2
_NUM_SUBCORES = 16
_LANES = 16
_NUM_WORKERS = _NUM_CORES * _NUM_SUBCORES
_ROWS_PER_WORKER = _SEQ_LEN // _NUM_WORKERS

_mesh = plsc.VectorSubcoreMesh(
    core_axis_name="c",
    subcore_axis_name="s",
    num_cores=_NUM_CORES,
    num_subcores=_NUM_SUBCORES,
)


@functools.partial(
    pl.kernel,
    out_type=jax.ShapeDtypeStruct((_BATCH, _SEQ_LEN, _D_MODEL), jnp.float32),
    mesh=_mesh,
    scratch_types=[
        pltpu.VMEM((_BATCH,), jnp.int32),
        pltpu.VMEM((_ROWS_PER_WORKER,), jnp.int32),
        pltpu.VMEM((_ROWS_PER_WORKER, _D_MODEL), jnp.float32),
        pltpu.SemaphoreType.DMA,
        pltpu.SemaphoreType.DMA,
    ],
)
def _pos_encoding_sc(len_hbm, table_hbm, out_hbm, len_v, idx_v, rows_v,
                     gsem, wsem):
    wid = lax.axis_index("s") * _NUM_CORES + lax.axis_index("c")
    base = wid * _ROWS_PER_WORKER

    pltpu.sync_copy(len_hbm, len_v)
    offset_vec = len_v[pl.ds(0, _LANES)] - _SEQ_LEN
    lane_iota = lax.iota(jnp.int32, _LANES)
    for i in range(_ROWS_PER_WORKER // _LANES):
        rows = offset_vec + (base + i * _LANES) + lane_iota
        rows = jnp.clip(rows, 0, _MAX_SEQ_LEN - 1)
        idx_v[pl.ds(i * _LANES, _LANES)] = rows

    pltpu.async_copy(table_hbm.at[idx_v], rows_v, gsem).wait()

    copies = [
        pltpu.async_copy(
            rows_v, out_hbm.at[b, pl.ds(base, _ROWS_PER_WORKER)], wsem)
        for b in range(_BATCH)
    ]
    for c in copies:
        c.wait()


def kernel(input_len, pos_enc_weight):
    return _pos_encoding_sc(input_len, pos_enc_weight)

# --- scband reference (transcript-rebuilt; emitter-appended) ---
"""Pipeline reference for scband-pos-encoding-24524263260240 (READ-ONLY COPY).

The authoritative reference and input builder live on the scoring server;
editing this copy changes nothing except your own understanding.
"""

import jax, jax.numpy as jnp
import numpy as np

MAX_SEQ_LEN = 8192
D_MODEL = 512
BATCH = 32
SEQ_LEN = 2048


def _build_pos_enc():
    pos = np.arange(MAX_SEQ_LEN).astype(np.float64)[:, None]
    j = np.arange(D_MODEL).astype(np.float64)[None, :]
    pe = pos / np.power(10000.0, 2.0 * (j // 2) / float(D_MODEL))
    pe[:, 0::2] = np.sin(pe[:, 0::2])
    pe[:, 1::2] = np.cos(pe[:, 1::2])
    return jnp.asarray(pe.astype(np.float32))


def setup_inputs() -> dict:
    # input_len: [SEQ_LEN]*BATCH -- spec fill='ones' scaled by fill_max (all lengths
    # must be identical for the original torch.tensor(list-of-ranges) to succeed).
    input_len = jnp.ones((BATCH,), dtype=jnp.int32) * SEQ_LEN
    pos_enc_weight = _build_pos_enc()  # frozen sinusoidal table [MAX_SEQ_LEN, D_MODEL]
    return {"input_len": input_len, "pos_enc_weight": pos_enc_weight}


def reference(input_len, pos_enc_weight):
    # input_pos = [[0..L-1] for each example], then embedding gather.
    L = SEQ_LEN
    B = input_len.shape[0]
    offset = input_len[0] - jnp.int32(L)
    input_pos = jnp.broadcast_to(offset + jnp.arange(L, dtype=jnp.int32), (B, L))
    return jnp.take(pos_enc_weight, input_pos, axis=0)

if __name__ == "__main__":
    import jax
    _d = setup_inputs()
    print(jax.jit(kernel)(*tuple(_d.values())))

</pallas_src>

<mosaic_0001>
#map = affine_map<(d0, d1) -> (0)>
#map1 = affine_map<(d0, d1) -> (0, 0)>
#map2 = affine_map<(d0, d1) -> (0, 0, 0)>
module attributes {stable_mosaic.version = 14 : i64} {
  func.func @_pos_encoding_sc(%arg0: i32, %arg1: i32, %arg2: memref<32xi32, #tpu.memory_space<hbm>>, %arg3: memref<8192x512xf32, #tpu.memory_space<hbm>>, %arg4: memref<32x2048x512xf32, #tpu.memory_space<hbm>>, %arg5: memref<32xi32, #tpu.memory_space<vmem>>, %arg6: memref<64xi32, #tpu.memory_space<vmem>>, %arg7: memref<64x512xf32, #tpu.memory_space<vmem>>, %arg8: memref<!tpu.dma_semaphore, #tpu.memory_space<semaphore_mem>>, %arg9: memref<!tpu.dma_semaphore, #tpu.memory_space<semaphore_mem>>) attributes {dimension_semantics = [#tpu.dimension_semantics<core_parallel>, #tpu.dimension_semantics<subcore_parallel>], iteration_bounds = array<i64: 2, 16>, scalar_prefetch = 0 : i64, scratch_operands = 5 : i64, tpu.core_type = #tpu.core_type<sc_vector_subcore>, window_params = [{transform_indices = #map}, {transform_indices = #map1}, {transform_indices = #map2}]} {
    %mul3A = arith.constant 2 : i32
    %mul3A_0 = arith.muli %arg1, %mul3A : i32
    %add3A = arith.addi %mul3A_0, %arg0 : i32
    %mul3A_1 = arith.constant 64 : i32
    %mul3A_2 = arith.muli %add3A, %mul3A_1 : i32
    "tpu.region"() ({
      %run_scoped3A = tpu.sem_alloc : memref<!tpu.dma_semaphore, #tpu.memory_space<semaphore_mem>>
      tpu.enqueue_dma source(%arg2 : memref<32xi32, #tpu.memory_space<hbm>>) target(%arg5 : memref<32xi32, #tpu.memory_space<vmem>>) target_semaphore(%run_scoped3A : memref<!tpu.dma_semaphore, #tpu.memory_space<semaphore_mem>>)
      tpu.wait_dma2 semaphore(%run_scoped3A : memref<!tpu.dma_semaphore, #tpu.memory_space<semaphore_mem>>) src(%arg2 : memref<32xi32, #tpu.memory_space<hbm>>) dst(%arg5 : memref<32xi32, #tpu.memory_space<vmem>>)
      tpu.yield
    }) : () -> ()
    %get3A = arith.constant 0 : index
    %get3A_3 = tpu.vector_load %arg5[%get3A] {strides = array<i32>} : memref<32xi32, #tpu.memory_space<vmem>>, vector<16xi32>,
    %get3A_4 = vector.shape_cast %get3A_3 : vector<16xi32> to vector<16xi32>
    %sub3A = arith.constant 2048 : i32
    %sub3A_5 = vector.broadcast %sub3A : i32 to vector<16xi32>
    %sub3A_6 = arith.subi %get3A_4, %sub3A_5 : vector<16xi32>
    %iota3A = tpu.iota {dimensions = array<i32: 0>} : vector<16xi32>
    %add3A_7 = arith.constant 0 : i32
    %add3A_8 = arith.addi %mul3A_2, %add3A_7 : i32
    %add3A_9 = vector.broadcast %add3A_8 : i32 to vector<16xi32>
    %add3A_10 = arith.addi %sub3A_6, %add3A_9 : vector<16xi32>
    %add3A_11 = arith.addi %add3A_10, %iota3A : vector<16xi32>
    %jit3A = arith.constant 0 : i32
    %jit3A_12 = arith.constant 8191 : i32
    %max3A = vector.broadcast %jit3A : i32 to vector<16xi32>
    %max3A_13 = arith.maxsi %max3A, %add3A_11 : vector<16xi32>
    %min3A = vector.broadcast %jit3A_12 : i32 to vector<16xi32>
    %min3A_14 = arith.minsi %min3A, %max3A_13 : vector<16xi32>
    %swap3A = arith.constant 0 : index
    %swap3A_15 = tpu.vector_load %arg6[%swap3A] {strides = array<i32>} : memref<64xi32, #tpu.memory_space<vmem>>, vector<16xi32>,
    %swap3A_16 = vector.shape_cast %swap3A_15 : vector<16xi32> to vector<16xi32>
    %swap3A_17 = vector.shape_cast %min3A_14 : vector<16xi32> to vector<16xi32>
    tpu.vector_store %arg6[%swap3A], %swap3A_17 {strides = array<i32>} : memref<64xi32, #tpu.memory_space<vmem>>, vector<16xi32>,
    %add3A_18 = arith.constant 16 : i32
    %add3A_19 = arith.addi %mul3A_2, %add3A_18 : i32
    %add3A_20 = vector.broadcast %add3A_19 : i32 to vector<16xi32>
    %add3A_21 = arith.addi %sub3A_6, %add3A_20 : vector<16xi32>
    %add3A_22 = arith.addi %add3A_21, %iota3A : vector<16xi32>
    %jit3A_23 = arith.constant 0 : i32
    %jit3A_24 = arith.constant 8191 : i32
    %max3A_25 = vector.broadcast %jit3A_23 : i32 to vector<16xi32>
    %max3A_26 = arith.maxsi %max3A_25, %add3A_22 : vector<16xi32>
    %min3A_27 = vector.broadcast %jit3A_24 : i32 to vector<16xi32>
    %min3A_28 = arith.minsi %min3A_27, %max3A_26 : vector<16xi32>
    %swap3A_29 = arith.constant 16 : index
    %swap3A_30 = tpu.vector_load %arg6[%swap3A_29] {strides = array<i32>} : memref<64xi32, #tpu.memory_space<vmem>>, vector<16xi32>,
    %swap3A_31 = vector.shape_cast %swap3A_30 : vector<16xi32> to vector<16xi32>
    %swap3A_32 = vector.shape_cast %min3A_28 : vector<16xi32> to vector<16xi32>
    tpu.vector_store %arg6[%swap3A_29], %swap3A_32 {strides = array<i32>} : memref<64xi32, #tpu.memory_space<vmem>>, vector<16xi32>,
    %add3A_33 = arith.constant 32 : i32
    %add3A_34 = arith.addi %mul3A_2, %add3A_33 : i32
    %add3A_35 = vector.broadcast %add3A_34 : i32 to vector<16xi32>
    %add3A_36 = arith.addi %sub3A_6, %add3A_35 : vector<16xi32>
    %add3A_37 = arith.addi %add3A_36, %iota3A : vector<16xi32>
    %jit3A_38 = arith.constant 0 : i32
    %jit3A_39 = arith.constant 8191 : i32
    %max3A_40 = vector.broadcast %jit3A_38 : i32 to vector<16xi32>
    %max3A_41 = arith.maxsi %max3A_40, %add3A_37 : vector<16xi32>
    %min3A_42 = vector.broadcast %jit3A_39 : i32 to vector<16xi32>
    %min3A_43 = arith.minsi %min3A_42, %max3A_41 : vector<16xi32>
    %swap3A_44 = arith.constant 32 : index
    %swap3A_45 = tpu.vector_load %arg6[%swap3A_44] {strides = array<i32>} : memref<64xi32, #tpu.memory_space<vmem>>, vector<16xi32>,
    %swap3A_46 = vector.shape_cast %swap3A_45 : vector<16xi32> to vector<16xi32>
    %swap3A_47 = vector.shape_cast %min3A_43 : vector<16xi32> to vector<16xi32>
    tpu.vector_store %arg6[%swap3A_44], %swap3A_47 {strides = array<i32>} : memref<64xi32, #tpu.memory_space<vmem>>, vector<16xi32>,
    %add3A_48 = arith.constant 48 : i32
    %add3A_49 = arith.addi %mul3A_2, %add3A_48 : i32
    %add3A_50 = vector.broadcast %add3A_49 : i32 to vector<16xi32>
    %add3A_51 = arith.addi %sub3A_6, %add3A_50 : vector<16xi32>
    %add3A_52 = arith.addi %add3A_51, %iota3A : vector<16xi32>
    %jit3A_53 = arith.constant 0 : i32
    %jit3A_54 = arith.constant 8191 : i32
    %max3A_55 = vector.broadcast %jit3A_53 : i32 to vector<16xi32>
    %max3A_56 = arith.maxsi %max3A_55, %add3A_52 : vector<16xi32>
    %min3A_57 = vector.broadcast %jit3A_54 : i32 to vector<16xi32>
    %min3A_58 = arith.minsi %min3A_57, %max3A_56 : vector<16xi32>
    %swap3A_59 = arith.constant 48 : index
    %swap3A_60 = tpu.vector_load %arg6[%swap3A_59] {strides = array<i32>} : memref<64xi32, #tpu.memory_space<vmem>>, vector<16xi32>,
    %swap3A_61 = vector.shape_cast %swap3A_60 : vector<16xi32> to vector<16xi32>
    %swap3A_62 = vector.shape_cast %min3A_58 : vector<16xi32> to vector<16xi32>
    tpu.vector_store %arg6[%swap3A_59], %swap3A_62 {strides = array<i32>} : memref<64xi32, #tpu.memory_space<vmem>>, vector<16xi32>,
    %dma_start3A = arith.constant 0 : i32
    %dma_start3A_63 = arith.constant 0 : i32
    %dma_start3A_64 = tpu.memref_slice %arg3[%dma_start3A, %dma_start3A_63] : memref<8192x512xf32, #tpu.memory_space<hbm>> -> memref<8192x512xf32, #tpu.memory_space<hbm>>
    tpu.enqueue_indirect_dma source(%dma_start3A_64 : memref<8192x512xf32, #tpu.memory_space<hbm>>) target(%arg7 : memref<64x512xf32, #tpu.memory_space<vmem>>) offsets(%arg6 : memref<64xi32, #tpu.memory_space<vmem>>) semaphore(%arg8 : memref<!tpu.dma_semaphore, #tpu.memory_space<semaphore_mem>>)
    %dma_wait3A = arith.constant 0 : i32
    %dma_wait3A_65 = arith.constant 0 : i32
    %dma_wait3A_66 = tpu.memref_slice %arg3[%dma_wait3A, %dma_wait3A_65] : memref<8192x512xf32, #tpu.memory_space<hbm>> -> memref<8192x512xf32, #tpu.memory_space<hbm>>
    tpu.wait_indirect_dma semaphore(%arg8 : memref<!tpu.dma_semaphore, #tpu.memory_space<semaphore_mem>>) src(%dma_wait3A_66 : memref<8192x512xf32, #tpu.memory_space<hbm>>) dst(%arg7 : memref<64x512xf32, #tpu.memory_space<vmem>>)
    %dma_start3A_67 = arith.constant 0 : i32
    %dma_start3A_68 = arith.constant 0 : i32
    %dma_start3A_69 = tpu.memref_slice %arg4[%dma_start3A_67, %mul3A_2, %dma_start3A_68] : memref<32x2048x512xf32, #tpu.memory_space<hbm>> -> memref<1x64x512xf32, #tpu.memory_space<hbm>>
    %dma_start3A_70 = tpu.memref_squeeze %dma_start3A_69 : memref<1x64x512xf32, #tpu.memory_space<hbm>> -> memref<64x512xf32, #tpu.memory_space<hbm>>
    %dma_start3A_71 = arith.constant 0 : i32
    %dma_start3A_72 = tpu.memref_slice %arg4[%dma_start3A_67, %mul3A_2, %dma_start3A_71] : memref<32x2048x512xf32, #tpu.memory_space<hbm>> -> memref<1x64x512xf32, #tpu.memory_space<hbm>>
    %dma_start3A_73 = tpu.memref_squeeze %dma_start3A_72 : memref<1x64x512xf32, #tpu.memory_space<hbm>> -> memref<64x512xf32, #tpu.memory_space<hbm>>
    tpu.enqueue_dma source(%arg7 : memref<64x512xf32, #tpu.memory_space<vmem>>) target(%dma_start3A_73 : memref<64x512xf32, #tpu.memory_space<hbm>>) target_semaphore(%arg9 : memref<!tpu.dma_semaphore, #tpu.memory_space<semaphore_mem>>)
    %dma_start3A_74 = arith.constant 1 : i32
    %dma_start3A_75 = arith.constant 0 : i32
    %dma_start3A_76 = tpu.memref_slice %arg4[%dma_start3A_74, %mul3A_2, %dma_start3A_75] : memref<32x2048x512xf32, #tpu.memory_space<hbm>> -> memref<1x64x512xf32, #tpu.memory_space<hbm>>
    %dma_start3A_77 = tpu.memref_squeeze %dma_start3A_76 : memref<1x64x512xf32, #tpu.memory_space<hbm>> -> memref<64x512xf32, #tpu.memory_space<hbm>>
    %dma_start3A_78 = arith.constant 0 : i32
    %dma_start3A_79 = tpu.memref_slice %arg4[%dma_start3A_74, %mul3A_2, %dma_start3A_78] : memref<32x2048x512xf32, #tpu.memory_space<hbm>> -> memref<1x64x512xf32, #tpu.memory_space<hbm>>
    %dma_start3A_80 = tpu.memref_squeeze %dma_start3A_79 : memref<1x64x512xf32, #tpu.memory_space<hbm>> -> memref<64x512xf32, #tpu.memory_space<hbm>>
    tpu.enqueue_dma source(%arg7 : memref<64x512xf32, #tpu.memory_space<vmem>>) target(%dma_start3A_80 : memref<64x512xf32, #tpu.memory_space<hbm>>) target_semaphore(%arg9 : memref<!tpu.dma_semaphore, #tpu.memory_space<semaphore_mem>>)
    %dma_start3A_81 = arith.constant 2 : i32
    %dma_start3A_82 = arith.constant 0 : i32
    %dma_start3A_83 = tpu.memref_slice %arg4[%dma_start3A_81, %mul3A_2, %dma_start3A_82] : memref<32x2048x512xf32, #tpu.memory_space<hbm>> -> memref<1x64x512xf32, #tpu.memory_space<hbm>>
    %dma_start3A_84 = tpu.memref_squeeze %dma_start3A_83 : memref<1x64x512xf32, #tpu.memory_space<hbm>> -> memref<64x512xf32, #tpu.memory_space<hbm>>
    %dma_start3A_85 = arith.constant 0 : i32
    %dma_start3A_86 = tpu.memref_slice %arg4[%dma_start3A_81, %mul3A_2, %dma_start3A_85] : memref<32x2048x512xf32, #tpu.memory_space<hbm>> -> memref<1x64x512xf32, #tpu.memory_space<hbm>>
    %dma_start3A_87 = tpu.memref_squeeze %dma_start3A_86 : memref<1x64x512xf32, #tpu.memory_space<hbm>> -> memref<64x512xf32, #tpu.memory_space<hbm>>
    tpu.enqueue_dma source(%arg7 : memref<64x512xf32, #tpu.memory_space<vmem>>) target(%dma_start3A_87 : memref<64x512xf32, #tpu.memory_space<hbm>>) target_semaphore(%arg9 : memref<!tpu.dma_semaphore, #tpu.memory_space<semaphore_mem>>)
    %dma_start3A_88 = arith.constant 3 : i32
    %dma_start3A_89 = arith.constant 0 : i32
    %dma_start3A_90 = tpu.memref_slice %arg4[%dma_start3A_88, %mul3A_2, %dma_start3A_89] : memref<32x2048x512xf32, #tpu.memory_space<hbm>> -> memref<1x64x512xf32, #tpu.memory_space<hbm>>
    %dma_start3A_91 = tpu.memref_squeeze %dma_start3A_90 : memref<1x64x512xf32, #tpu.memory_space<hbm>> -> memref<64x512xf32, #tpu.memory_space<hbm>>
    %dma_start3A_92 = arith.constant 0 : i32
    %dma_start3A_93 = tpu.memref_slice %arg4[%dma_start3A_88, %mul3A_2, %dma_start3A_92] : memref<32x2048x512xf32, #tpu.memory_space<hbm>> -> memref<1x64x512xf32, #tpu.memory_space<hbm>>
    %dma_start3A_94 = tpu.memref_squeeze %dma_start3A_93 : memref<1x64x512xf32, #tpu.memory_space<hbm>> -> memref<64x512xf32, #tpu.memory_space<hbm>>
    tpu.enqueue_dma source(%arg7 : memref<64x512xf32, #tpu.memory_space<vmem>>) target(%dma_start3A_94 : memref<64x512xf32, #tpu.memory_space<hbm>>) target_semaphore(%arg9 : memref<!tpu.dma_semaphore, #tpu.memory_space<semaphore_mem>>)
    %dma_start3A_95 = arith.constant 4 : i32
    %dma_start3A_96 = arith.constant 0 : i32
    %dma_start3A_97 = tpu.memref_slice %arg4[%dma_start3A_95, %mul3A_2, %dma_start3A_96] : memref<32x2048x512xf32, #tpu.memory_space<hbm>> -> memref<1x64x512xf32, #tpu.memory_space<hbm>>
    %dma_start3A_98 = tpu.memref_squeeze %dma_start3A_97 : memref<1x64x512xf32, #tpu.memory_space<hbm>> -> memref<64x512xf32, #tpu.memory_space<hbm>>
    %dma_start3A_99 = arith.constant 0 : i32
    %dma_start3A_100 = tpu.memref_slice %arg4[%dma_start3A_95, %mul3A_2, %dma_start3A_99] : memref<32x2048x512xf32, #tpu.memory_space<hbm>> -> memref<1x64x512xf32, #tpu.memory_space<hbm>>
    %dma_start3A_101 = tpu.memref_squeeze %dma_start3A_100 : memref<1x64x512xf32, #tpu.memory_space<hbm>> -> memref<64x512xf32, #tpu.memory_space<hbm>>
    tpu.enqueue_dma source(%arg7 : memref<64x512xf32, #tpu.memory_space<vmem>>) target(%dma_start3A_101 : memref<64x512xf32, #tpu.memory_space<hbm>>) target_semaphore(%arg9 : memref<!tpu.dma_semaphore, #tpu.memory_space<semaphore_mem>>)
    %dma_start3A_102 = arith.constant 5 : i32
    %dma_start3A_103 = arith.constant 0 : i32
    %dma_start3A_104 = tpu.memref_slice %arg4[%dma_start3A_102, %mul3A_2, %dma_start3A_103] : memref<32x2048x512xf32, #tpu.memory_space<hbm>> -> memref<1x64x512xf32, #tpu.memory_space<hbm>>
    %dma_start3A_105 = tpu.memref_squeeze %dma_start3A_104 : memref<1x64x512xf32, #tpu.memory_space<hbm>> -> memref<64x512xf32, #tpu.memory_space<hbm>>
    %dma_start3A_106 = arith.constant 0 : i32
    %dma_start3A_107 = tpu.memref_slice %arg4[%dma_start3A_102, %mul3A_2, %dma_start3A_106] : memref<32x2048x512xf32, #tpu.memory_space<hbm>> -> memref<1x64x512xf32, #tpu.memory_space<hbm>>
    %dma_start3A_108 = tpu.memref_squeeze %dma_start3A_107 : memref<1x64x512xf32, #tpu.memory_space<hbm>> -> memref<64x512xf32, #tpu.memory_space<hbm>>
    tpu.enqueue_dma source(%arg7 : memref<64x512xf32, #tpu.memory_space<vmem>>) target(%dma_start3A_108 : memref<64x512xf32, #tpu.memory_space<hbm>>) target_semaphore(%arg9 : memref<!tpu.dma_semaphore, #tpu.memory_space<semaphore_mem>>)
    %dma_start3A_109 = arith.constant 6 : i32
    %dma_start3A_110 = arith.constant 0 : i32
    %dma_start3A_111 = tpu.memref_slice %arg4[%dma_start3A_109, %mul3A_2, %dma_start3A_110] : memref<32x2048x512xf32, #tpu.memory_space<hbm>> -> memref<1x64x512xf32, #tpu.memory_space<hbm>>
    %dma_start3A_112 = tpu.memref_squeeze %dma_start3A_111 : memref<1x64x512xf32, #tpu.memory_space<hbm>> -> memref<64x512xf32, #tpu.memory_space<hbm>>
    %dma_start3A_113 = arith.constant 0 : i32
    %dma_start3A_114 = tpu.memref_slice %arg4[%dma_start3A_109, %mul3A_2, %dma_start3A_113] : memref<32x2048x512xf32, #tpu.memory_space<hbm>> -> memref<1x64x512xf32, #tpu.memory_space<hbm>>
    %dma_start3A_115 = tpu.memref_squeeze %dma_start3A_114 : memref<1x64x512xf32, #tpu.memory_space<hbm>> -> memref<64x512xf32, #tpu.memory_space<hbm>>
    tpu.enqueue_dma source(%arg7 : memref<64x512xf32, #tpu.memory_space<vmem>>) target(%dma_start3A_115 : memref<64x512xf32, #tpu.memory_space<hbm>>) target_semaphore(%arg9 : memref<!tpu.dma_semaphore, #tpu.memory_space<semaphore_mem>>)
    %dma_start3A_116 = arith.constant 7 : i32
    %dma_start3A_117 = arith.constant 0 : i32
    %dma_start3A_118 = tpu.memref_slice %arg4[%dma_start3A_116, %mul3A_2, %dma_start3A_117] : memref<32x2048x512xf32, #tpu.memory_space<hbm>> -> memref<1x64x512xf32, #tpu.memory_space<hbm>>
    %dma_start3A_119 = tpu.memref_squeeze %dma_start3A_118 : memref<1x64x512xf32, #tpu.memory_space<hbm>> -> memref<64x512xf32, #tpu.memory_space<hbm>>
    %dma_start3A_120 = arith.constant 0 : i32
    %dma_start3A_121 = tpu.memref_slice %arg4[%dma_start3A_116, %mul3A_2, %dma_start3A_120] : memref<32x2048x512xf32, #tpu.memory_space<hbm>> -> memref<1x64x512xf32, #tpu.memory_space<hbm>>
    %dma_start3A_122 = tpu.memref_squeeze %dma_start3A_121 : memref<1x64x512xf32, #tpu.memory_space<hbm>> -> memref<64x512xf32, #tpu.memory_space<hbm>>
    tpu.enqueue_dma source(%arg7 : memref<64x512xf32, #tpu.memory_space<vmem>>) target(%dma_start3A_122 : memref<64x512xf32, #tpu.memory_space<hbm>>) target_semaphore(%arg9 : memref<!tpu.dma_semaphore, #tpu.memory_space<semaphore_mem>>)
    %dma_start3A_123 = arith.constant 8 : i32
    %dma_start3A_124 = arith.constant 0 : i32
    %dma_start3A_125 = tpu.memref_slice %arg4[%dma_start3A_123, %mul3A_2, %dma_start3A_124] : memref<32x2048x512xf32, #tpu.memory_space<hbm>> -> memref<1x64x512xf32, #tpu.memory_space<hbm>>
    %dma_start3A_126 = tpu.memref_squeeze %dma_start3A_125 : memref<1x64x512xf32, #tpu.memory_space<hbm>> -> memref<64x512xf32, #tpu.memory_space<hbm>>
    %dma_start3A_127 = arith.constant 0 : i32
    %dma_start3A_128 = tpu.memref_slice %arg4[%dma_start3A_123, %mul3A_2, %dma_start3A_127] : memref<32x2048x512xf32, #tpu.memory_space<hbm>> -> memref<1x64x512xf32, #tpu.memory_space<hbm>>
    %dma_start3A_129 = tpu.memref_squeeze %dma_start3A_128 : memref<1x64x512xf32, #tpu.memory_space<hbm>> -> memref<64x512xf32, #tpu.memory_space<hbm>>
    tpu.enqueue_dma source(%arg7 : memref<64x512xf32, #tpu.memory_space<vmem>>) target(%dma_start3A_129 : memref<64x512xf32, #tpu.memory_space<hbm>>) target_semaphore(%arg9 : memref<!tpu.dma_semaphore, #tpu.memory_space<semaphore_mem>>)
    %dma_start3A_130 = arith.constant 9 : i32
    %dma_start3A_131 = arith.constant 0 : i32
    %dma_start3A_132 = tpu.memref_slice %arg4[%dma_start3A_130, %mul3A_2, %dma_start3A_131] : memref<32x2048x512xf32, #tpu.memory_space<hbm>> -> memref<1x64x512xf32, #tpu.memory_space<hbm>>
    %dma_start3A_133 = tpu.memref_squeeze %dma_start3A_132 : memref<1x64x512xf32, #tpu.memory_space<hbm>> -> memref<64x512xf32, #tpu.memory_space<hbm>>
    %dma_start3A_134 = arith.constant 0 : i32
    %dma_start3A_135 = tpu.memref_slice %arg4[%dma_start3A_130, %mul3A_2, %dma_start3A_134] : memref<32x2048x512xf32, #tpu.memory_space<hbm>> -> memref<1x64x512xf32, #tpu.memory_space<hbm>>
    %dma_start3A_136 = tpu.memref_squeeze %dma_start3A_135 : memref<1x64x512xf32, #tpu.memory_space<hbm>> -> memref<64x512xf32, #tpu.memory_space<hbm>>
    tpu.enqueue_dma source(%arg7 : memref<64x512xf32, #tpu.memory_space<vmem>>) target(%dma_start3A_136 : memref<64x512xf32, #tpu.memory_space<hbm>>) target_semaphore(%arg9 : memref<!tpu.dma_semaphore, #tpu.memory_space<semaphore_mem>>)
    %dma_start3A_137 = arith.constant 10 : i32
    %dma_start3A_138 = arith.constant 0 : i32
    %dma_start3A_139 = tpu.memref_slice %arg4[%dma_start3A_137, %mul3A_2, %dma_start3A_138] : memref<32x2048x512xf32, #tpu.memory_space<hbm>> -> memref<1x64x512xf32, #tpu.memory_space<hbm>>
    %dma_start3A_140 = tpu.memref_squeeze %dma_start3A_139 : memref<1x64x512xf32, #tpu.memory_space<hbm>> -> memref<64x512xf32, #tpu.memory_space<hbm>>
    %dma_start3A_141 = arith.constant 0 : i32
    %dma_start3A_142 = tpu.memref_slice %arg4[%dma_start3A_137, %mul3A_2, %dma_start3A_141] : memref<32x2048x512xf32, #tpu.memory_space<hbm>> -> memref<1x64x512xf32, #tpu.memory_space<hbm>>
    %dma_start3A_143 = tpu.memref_squeeze %dma_start3A_142 : memref<1x64x512xf32, #tpu.memory_space<hbm>> -> memref<64x512xf32, #tpu.memory_space<hbm>>
    tpu.enqueue_dma source(%arg7 : memref<64x512xf32, #tpu.memory_space<vmem>>) target(%dma_start3A_143 : memref<64x512xf32, #tpu.memory_space<hbm>>) target_semaphore(%arg9 : memref<!tpu.dma_semaphore, #tpu.memory_space<semaphore_mem>>)
    %dma_start3A_144 = arith.constant 11 : i32
    %dma_start3A_145 = arith.constant 0 : i32
    %dma_start3A_146 = tpu.memref_slice %arg4[%dma_start3A_144, %mul3A_2, %dma_start3A_145] : memref<32x2048x512xf32, #tpu.memory_space<hbm>> -> memref<1x64x512xf32, #tpu.memory_space<hbm>>
    %dma_start3A_147 = tpu.memref_squeeze %dma_start3A_146 : memref<1x64x512xf32, #tpu.memory_space<hbm>> -> memref<64x512xf32, #tpu.memory_space<hbm>>
    %dma_start3A_148 = arith.constant 0 : i32
    %dma_start3A_149 = tpu.memref_slice %arg4[%dma_start3A_144, %mul3A_2, %dma_start3A_148] : memref<32x2048x512xf32, #tpu.memory_space<hbm>> -> memref<1x64x512xf32, #tpu.memory_space<hbm>>
    %dma_start3A_150 = tpu.memref_squeeze %dma_start3A_149 : memref<1x64x512xf32, #tpu.memory_space<hbm>> -> memref<64x512xf32, #tpu.memory_space<hbm>>
    tpu.enqueue_dma source(%arg7 : memref<64x512xf32, #tpu.memory_space<vmem>>) target(%dma_start3A_150 : memref<64x512xf32, #tpu.memory_space<hbm>>) target_semaphore(%arg9 : memref<!tpu.dma_semaphore, #tpu.memory_space<semaphore_mem>>)
    %dma_start3A_151 = arith.constant 12 : i32
    %dma_start3A_152 = arith.constant 0 : i32
    %dma_start3A_153 = tpu.memref_slice %arg4[%dma_start3A_151, %mul3A_2, %dma_start3A_152] : memref<32x2048x512xf32, #tpu.memory_space<hbm>> -> memref<1x64x512xf32, #tpu.memory_space<hbm>>
    %dma_start3A_154 = tpu.memref_squeeze %dma_start3A_153 : memref<1x64x512xf32, #tpu.memory_space<hbm>> -> memref<64x512xf32, #tpu.memory_space<hbm>>
    %dma_start3A_155 = arith.constant 0 : i32
    %dma_start3A_156 = tpu.memref_slice %arg4[%dma_start3A_151, %mul3A_2, %dma_start3A_155] : memref<32x2048x512xf32, #tpu.memory_space<hbm>> -> memref<1x64x512xf32, #tpu.memory_space<hbm>>
    %dma_start3A_157 = tpu.memref_squeeze %dma_start3A_156 : memref<1x64x512xf32, #tpu.memory_space<hbm>> -> memref<64x512xf32, #tpu.memory_space<hbm>>
    tpu.enqueue_dma source(%arg7 : memref<64x512xf32, #tpu.memory_space<vmem>>) target(%dma_start3A_157 : memref<64x512xf32, #tpu.memory_space<hbm>>) target_semaphore(%arg9 : memref<!tpu.dma_semaphore, #tpu.memory_space<semaphore_mem>>)
    %dma_start3A_158 = arith.constant 13 : i32
    %dma_start3A_159 = arith.constant 0 : i32
    %dma_start3A_160 = tpu.memref_slice %arg4[%dma_start3A_158, %mul3A_2, %dma_start3A_159] : memref<32x2048x512xf32, #tpu.memory_space<hbm>> -> memref<1x64x512xf32, #tpu.memory_space<hbm>>
    %dma_start3A_161 = tpu.memref_squeeze %dma_start3A_160 : memref<1x64x512xf32, #tpu.memory_space<hbm>> -> memref<64x512xf32, #tpu.memory_space<hbm>>
    %dma_start3A_162 = arith.constant 0 : i32
    %dma_start3A_163 = tpu.memref_slice %arg4[%dma_start3A_158, %mul3A_2, %dma_start3A_162] : memref<32x2048x512xf32, #tpu.memory_space<hbm>> -> memref<1x64x512xf32, #tpu.memory_space<hbm>>
    %dma_start3A_164 = tpu.memref_squeeze %dma_start3A_163 : memref<1x64x512xf32, #tpu.memory_space<hbm>> -> memref<64x512xf32, #tpu.memory_space<hbm>>
    tpu.enqueue_dma source(%arg7 : memref<64x512xf32, #tpu.memory_space<vmem>>) target(%dma_start3A_164 : memref<64x512xf32, #tpu.memory_space<hbm>>) target_semaphore(%arg9 : memref<!tpu.dma_semaphore, #tpu.memory_space<semaphore_mem>>)
    %dma_start3A_165 = arith.constant 14 : i32
    %dma_start3A_166 = arith.constant 0 : i32
    %dma_start3A_167 = tpu.memref_slice %arg4[%dma_start3A_165, %mul3A_2, %dma_start3A_166] : memref<32x2048x512xf32, #tpu.memory_space<hbm>> -> memref<1x64x512xf32, #tpu.memory_space<hbm>>
    %dma_start3A_168 = tpu.memref_squeeze %dma_start3A_167 : memref<1x64x512xf32, #tpu.memory_space<hbm>> -> memref<64x512xf32, #tpu.memory_space<hbm>>
    %dma_start3A_169 = arith.constant 0 : i32
    %dma_start3A_170 = tpu.memref_slice %arg4[%dma_start3A_165, %mul3A_2, %dma_start3A_169] : memref<32x2048x512xf32, #tpu.memory_space<hbm>> -> memref<1x64x512xf32, #tpu.memory_space<hbm>>
    %dma_start3A_171 = tpu.memref_squeeze %dma_start3A_170 : memref<1x64x512xf32, #tpu.memory_space<hbm>> -> memref<64x512xf32, #tpu.memory_space<hbm>>
    tpu.enqueue_dma source(%arg7 : memref<64x512xf32, #tpu.memory_space<vmem>>) target(%dma_start3A_171 : memref<64x512xf32, #tpu.memory_space<hbm>>) target_semaphore(%arg9 : memref<!tpu.dma_semaphore, #tpu.memory_space<semaphore_mem>>)
    %dma_start3A_172 = arith.constant 15 : i32
    %dma_start3A_173 = arith.constant 0 : i32
    %dma_start3A_174 = tpu.memref_slice %arg4[%dma_start3A_172, %mul3A_2, %dma_start3A_173] : memref<32x2048x512xf32, #tpu.memory_space<hbm>> -> memref<1x64x512xf32, #tpu.memory_space<hbm>>
    %dma_start3A_175 = tpu.memref_squeeze %dma_start3A_174 : memref<1x64x512xf32, #tpu.memory_space<hbm>> -> memref<64x512xf32, #tpu.memory_space<hbm>>
    %dma_start3A_176 = arith.constant 0 : i32
    %dma_start3A_177 = tpu.memref_slice %arg4[%dma_start3A_172, %mul3A_2, %dma_start3A_176] : memref<32x2048x512xf32, #tpu.memory_space<hbm>> -> memref<1x64x512xf32, #tpu.memory_space<hbm>>
    %dma_start3A_178 = tpu.memref_squeeze %dma_start3A_177 : memref<1x64x512xf32, #tpu.memory_space<hbm>> -> memref<64x512xf32, #tpu.memory_space<hbm>>
    tpu.enqueue_dma source(%arg7 : memref<64x512xf32, #tpu.memory_space<vmem>>) target(%dma_start3A_178 : memref<64x512xf32, #tpu.memory_space<hbm>>) target_semaphore(%arg9 : memref<!tpu.dma_semaphore, #tpu.memory_space<semaphore_mem>>)
    %dma_start3A_179 = arith.constant 16 : i32
    %dma_start3A_180 = arith.constant 0 : i32
    %dma_start3A_181 = tpu.memref_slice %arg4[%dma_start3A_179, %mul3A_2, %dma_start3A_180] : memref<32x2048x512xf32, #tpu.memory_space<hbm>> -> memref<1x64x512xf32, #tpu.memory_space<hbm>>
    %dma_start3A_182 = tpu.memref_squeeze %dma_start3A_181 : memref<1x64x512xf32, #tpu.memory_space<hbm>> -> memref<64x512xf32, #tpu.memory_space<hbm>>
    %dma_start3A_183 = arith.constant 0 : i32
    %dma_start3A_184 = tpu.memref_slice %arg4[%dma_start3A_179, %mul3A_2, %dma_start3A_183] : memref<32x2048x512xf32, #tpu.memory_space<hbm>> -> memref<1x64x512xf32, #tpu.memory_space<hbm>>
    %dma_start3A_185 = tpu.memref_squeeze %dma_start3A_184 : memref<1x64x512xf32, #tpu.memory_space<hbm>> -> memref<64x512xf32, #tpu.memory_space<hbm>>
    tpu.enqueue_dma source(%arg7 : memref<64x512xf32, #tpu.memory_space<vmem>>) target(%dma_start3A_185 : memref<64x512xf32, #tpu.memory_space<hbm>>) target_semaphore(%arg9 : memref<!tpu.dma_semaphore, #tpu.memory_space<semaphore_mem>>)
    %dma_start3A_186 = arith.constant 17 : i32
    %dma_start3A_187 = arith.constant 0 : i32
    %dma_start3A_188 = tpu.memref_slice %arg4[%dma_start3A_186, %mul3A_2, %dma_start3A_187] : memref<32x2048x512xf32, #tpu.memory_space<hbm>> -> memref<1x64x512xf32, #tpu.memory_space<hbm>>
    %dma_start3A_189 = tpu.memref_squeeze %dma_start3A_188 : memref<1x64x512xf32, #tpu.memory_space<hbm>> -> memref<64x512xf32, #tpu.memory_space<hbm>>
    %dma_start3A_190 = arith.constant 0 : i32
    %dma_start3A_191 = tpu.memref_slice %arg4[%dma_start3A_186, %mul3A_2, %dma_start3A_190] : memref<32x2048x512xf32, #tpu.memory_space<hbm>> -> memref<1x64x512xf32, #tpu.memory_space<hbm>>
    %dma_start3A_192 = tpu.memref_squeeze %dma_start3A_191 : memref<1x64x512xf32, #tpu.memory_space<hbm>> -> memref<64x512xf32, #tpu.memory_space<hbm>>
    tpu.enqueue_dma source(%arg7 : memref<64x512xf32, #tpu.memory_space<vmem>>) target(%dma_start3A_192 : memref<64x512xf32, #tpu.memory_space<hbm>>) target_semaphore(%arg9 : memref<!tpu.dma_semaphore, #tpu.memory_space<semaphore_mem>>)
    %dma_start3A_193 = arith.constant 18 : i32
    %dma_start3A_194 = arith.constant 0 : i32
    %dma_start3A_195 = tpu.memref_slice %arg4[%dma_start3A_193, %mul3A_2, %dma_start3A_194] : memref<32x2048x512xf32, #tpu.memory_space<hbm>> -> memref<1x64x512xf32, #tpu.memory_space<hbm>>
    %dma_start3A_196 = tpu.memref_squeeze %dma_start3A_195 : memref<1x64x512xf32, #tpu.memory_space<hbm>> -> memref<64x512xf32, #tpu.memory_space<hbm>>
    %dma_start3A_197 = arith.constant 0 : i32
    %dma_start3A_198 = tpu.memref_slice %arg4[%dma_start3A_193, %mul3A_2, %dma_start3A_197] : memref<32x2048x512xf32, #tpu.memory_space<hbm>> -> memref<1x64x512xf32, #tpu.memory_space<hbm>>
    %dma_start3A_199 = tpu.memref_squeeze %dma_start3A_198 : memref<1x64x512xf32, #tpu.memory_space<hbm>> -> memref<64x512xf32, #tpu.memory_space<hbm>>
    tpu.enqueue_dma source(%arg7 : memref<64x512xf32, #tpu.memory_space<vmem>>) target(%dma_start3A_199 : memref<64x512xf32, #tpu.memory_space<hbm>>) target_semaphore(%arg9 : memref<!tpu.dma_semaphore, #tpu.memory_space<semaphore_mem>>)
    %dma_start3A_200 = arith.constant 19 : i32
    %dma_start3A_201 = arith.constant 0 : i32
    %dma_start3A_202 = tpu.memref_slice %arg4[%dma_start3A_200, %mul3A_2, %dma_start3A_201] : memref<32x2048x512xf32, #tpu.memory_space<hbm>> -> memref<1x64x512xf32, #tpu.memory_space<hbm>>
    %dma_start3A_203 = tpu.memref_squeeze %dma_start3A_202 : memref<1x64x512xf32, #tpu.memory_space<hbm>> -> memref<64x512xf32, #tpu.memory_space<hbm>>
    %dma_start3A_204 = arith.constant 0 : i32
    %dma_start3A_205 = tpu.memref_slice %arg4[%dma_start3A_200, %mul3A_2, %dma_start3A_204] : memref<32x2048x512xf32, #tpu.memory_space<hbm>> -> memref<1x64x512xf32, #tpu.memory_space<hbm>>
    %dma_start3A_206 = tpu.memref_squeeze %dma_start3A_205 : memref<1x64x512xf32, #tpu.memory_space<hbm>> -> memref<64x512xf32, #tpu.memory_space<hbm>>
    tpu.enqueue_dma source(%arg7 : memref<64x512xf32, #tpu.memory_space<vmem>>) target(%dma_start3A_206 : memref<64x512xf32, #tpu.memory_space<hbm>>) target_semaphore(%arg9 : memref<!tpu.dma_semaphore, #tpu.memory_space<semaphore_mem>>)
    %dma_start3A_207 = arith.constant 20 : i32
    %dma_start3A_208 = arith.constant 0 : i32
    %dma_start3A_209 = tpu.memref_slice %arg4[%dma_start3A_207, %mul3A_2, %dma_start3A_208] : memref<32x2048x512xf32, #tpu.memory_space<hbm>> -> memref<1x64x512xf32, #tpu.memory_space<hbm>>
    %dma_start3A_210 = tpu.memref_squeeze %dma_start3A_209 : memref<1x64x512xf32, #tpu.memory_space<hbm>> -> memref<64x512xf32, #tpu.memory_space<hbm>>
    %dma_start3A_211 = arith.constant 0 : i32
    %dma_start3A_212 = tpu.memref_slice %arg4[%dma_start3A_207, %mul3A_2, %dma_start3A_211] : memref<32x2048x512xf32, #tpu.memory_space<hbm>> -> memref<1x64x512xf32, #tpu.memory_space<hbm>>
    %dma_start3A_213 = tpu.memref_squeeze %dma_start3A_212 : memref<1x64x512xf32, #tpu.memory_space<hbm>> -> memref<64x512xf32, #tpu.memory_space<hbm>>
    tpu.enqueue_dma source(%arg7 : memref<64x512xf32, #tpu.memory_space<vmem>>) target(%dma_start3A_213 : memref<64x512xf32, #tpu.memory_space<hbm>>) target_semaphore(%arg9 : memref<!tpu.dma_semaphore, #tpu.memory_space<semaphore_mem>>)
    %dma_start3A_214 = arith.constant 21 : i32
    %dma_start3A_215 = arith.constant 0 : i32
    %dma_start3A_216 = tpu.memref_slice %arg4[%dma_start3A_214, %mul3A_2, %dma_start3A_215] : memref<32x2048x512xf32, #tpu.memory_space<hbm>> -> memref<1x64x512xf32, #tpu.memory_space<hbm>>
    %dma_start3A_217 = tpu.memref_squeeze %dma_start3A_216 : memref<1x64x512xf32, #tpu.memory_space<hbm>> -> memref<64x512xf32, #tpu.memory_space<hbm>>
    %dma_start3A_218 = arith.constant 0 : i32
    %dma_start3A_219 = tpu.memref_slice %arg4[%dma_start3A_214, %mul3A_2, %dma_start3A_218] : memref<32x2048x512xf32, #tpu.memory_space<hbm>> -> memref<1x64x512xf32, #tpu.memory_space<hbm>>
    %dma_start3A_220 = tpu.memref_squeeze %dma_start3A_219 : memref<1x64x512xf32, #tpu.memory_space<hbm>> -> memref<64x512xf32, #tpu.memory_space<hbm>>
    tpu.enqueue_dma source(%arg7 : memref<64x512xf32, #tpu.memory_space<vmem>>) target(%dma_start3A_220 : memref<64x512xf32, #tpu.memory_space<hbm>>) target_semaphore(%arg9 : memref<!tpu.dma_semaphore, #tpu.memory_space<semaphore_mem>>)
    %dma_start3A_221 = arith.constant 22 : i32
    %dma_start3A_222 = arith.constant 0 : i32
    %dma_start3A_223 = tpu.memref_slice %arg4[%dma_start3A_221, %mul3A_2, %dma_start3A_222] : memref<32x2048x512xf32, #tpu.memory_space<hbm>> -> memref<1x64x512xf32, #tpu.memory_space<hbm>>
    %dma_start3A_224 = tpu.memref_squeeze %dma_start3A_223 : memref<1x64x512xf32, #tpu.memory_space<hbm>> -> memref<64x512xf32, #tpu.memory_space<hbm>>
    %dma_start3A_225 = arith.constant 0 : i32
    %dma_start3A_226 = tpu.memref_slice %arg4[%dma_start3A_221, %mul3A_2, %dma_start3A_225] : memref<32x2048x512xf32, #tpu.memory_space<hbm>> -> memref<1x64x512xf32, #tpu.memory_space<hbm>>
    %dma_start3A_227 = tpu.memref_squeeze %dma_start3A_226 : memref<1x64x512xf32, #tpu.memory_space<hbm>> -> memref<64x512xf32, #tpu.memory_space<hbm>>
    tpu.enqueue_dma source(%arg7 : memref<64x512xf32, #tpu.memory_space<vmem>>) target(%dma_start3A_227 : memref<64x512xf32, #tpu.memory_space<hbm>>) target_semaphore(%arg9 : memref<!tpu.dma_semaphore, #tpu.memory_space<semaphore_mem>>)
    %dma_start3A_228 = arith.constant 23 : i32
    %dma_start3A_229 = arith.constant 0 : i32
    %dma_start3A_230 = tpu.memref_slice %arg4[%dma_start3A_228, %mul3A_2, %dma_start3A_229] : memref<32x2048x512xf32, #tpu.memory_space<hbm>> -> memref<1x64x512xf32, #tpu.memory_space<hbm>>
    %dma_start3A_231 = tpu.memref_squeeze %dma_start3A_230 : memref<1x64x512xf32, #tpu.memory_space<hbm>> -> memref<64x512xf32, #tpu.memory_space<hbm>>
    %dma_start3A_232 = arith.constant 0 : i32
    %dma_start3A_233 = tpu.memref_slice %arg4[%dma_start3A_228, %mul3A_2, %dma_start3A_232] : memref<32x2048x512xf32, #tpu.memory_space<hbm>> -> memref<1x64x512xf32, #tpu.memory_space<hbm>>
    %dma_start3A_234 = tpu.memref_squeeze %dma_start3A_233 : memref<1x64x512xf32, #tpu.memory_space<hbm>> -> memref<64x512xf32, #tpu.memory_space<hbm>>
    tpu.enqueue_dma source(%arg7 : memref<64x512xf32, #tpu.memory_space<vmem>>) target(%dma_start3A_234 : memref<64x512xf32, #tpu.memory_space<hbm>>) target_semaphore(%arg9 : memref<!tpu.dma_semaphore, #tpu.memory_space<semaphore_mem>>)
    %dma_start3A_235 = arith.constant 24 : i32
    %dma_start3A_236 = arith.constant 0 : i32
    %dma_start3A_237 = tpu.memref_slice %arg4[%dma_start3A_235, %mul3A_2, %dma_start3A_236] : memref<32x2048x512xf32, #tpu.memory_space<hbm>> -> memref<1x64x512xf32, #tpu.memory_space<hbm>>
    %dma_start3A_238 = tpu.memref_squeeze %dma_start3A_237 : memref<1x64x512xf32, #tpu.memory_space<hbm>> -> memref<64x512xf32, #tpu.memory_space<hbm>>
    %dma_start3A_239 = arith.constant 0 : i32
    %dma_start3A_240 = tpu.memref_slice %arg4[%dma_start3A_235, %mul3A_2, %dma_start3A_239] : memref<32x2048x512xf32, #tpu.memory_space<hbm>> -> memref<1x64x512xf32, #tpu.memory_space<hbm>>
    %dma_start3A_241 = tpu.memref_squeeze %dma_start3A_240 : memref<1x64x512xf32, #tpu.memory_space<hbm>> -> memref<64x512xf32, #tpu.memory_space<hbm>>
    tpu.enqueue_dma source(%arg7 : memref<64x512xf32, #tpu.memory_space<vmem>>) target(%dma_start3A_241 : memref<64x512xf32, #tpu.memory_space<hbm>>) target_semaphore(%arg9 : memref<!tpu.dma_semaphore, #tpu.memory_space<semaphore_mem>>)
    %dma_start3A_242 = arith.constant 25 : i32
    %dma_start3A_243 = arith.constant 0 : i32
    %dma_start3A_244 = tpu.memref_slice %arg4[%dma_start3A_242, %mul3A_2, %dma_start3A_243] : memref<32x2048x512xf32, #tpu.memory_space<hbm>> -> memref<1x64x512xf32, #tpu.memory_space<hbm>>
    %dma_start3A_245 = tpu.memref_squeeze %dma_start3A_244 : memref<1x64x512xf32, #tpu.memory_space<hbm>> -> memref<64x512xf32, #tpu.memory_space<hbm>>
    %dma_start3A_246 = arith.constant 0 : i32
    %dma_start3A_247 = tpu.memref_slice %arg4[%dma_start3A_242, %mul3A_2, %dma_start3A_246] : memref<32x2048x512xf32, #tpu.memory_space<hbm>> -> memref<1x64x512xf32, #tpu.memory_space<hbm>>
    %dma_start3A_248 = tpu.memref_squeeze %dma_start3A_247 : memref<1x64x512xf32, #tpu.memory_space<hbm>> -> memref<64x512xf32, #tpu.memory_space<hbm>>
    tpu.enqueue_dma source(%arg7 : memref<64x512xf32, #tpu.memory_space<vmem>>) target(%dma_start3A_248 : memref<64x512xf32, #tpu.memory_space<hbm>>) target_semaphore(%arg9 : memref<!tpu.dma_semaphore, #tpu.memory_space<semaphore_mem>>)
    %dma_start3A_249 = arith.constant 26 : i32
    %dma_start3A_250 = arith.constant 0 : i32
    %dma_start3A_251 = tpu.memref_slice %arg4[%dma_start3A_249, %mul3A_2, %dma_start3A_250] : memref<32x2048x512xf32, #tpu.memory_space<hbm>> -> memref<1x64x512xf32, #tpu.memory_space<hbm>>
    %dma_start3A_252 = tpu.memref_squeeze %dma_start3A_251 : memref<1x64x512xf32, #tpu.memory_space<hbm>> -> memref<64x512xf32, #tpu.memory_space<hbm>>
    %dma_start3A_253 = arith.constant 0 : i32
    %dma_start3A_254 = tpu.memref_slice %arg4[%dma_start3A_249, %mul3A_2, %dma_start3A_253] : memref<32x2048x512xf32, #tpu.memory_space<hbm>> -> memref<1x64x512xf32, #tpu.memory_space<hbm>>
    %dma_start3A_255 = tpu.memref_squeeze %dma_start3A_254 : memref<1x64x512xf32, #tpu.memory_space<hbm>> -> memref<64x512xf32, #tpu.memory_space<hbm>>
    tpu.enqueue_dma source(%arg7 : memref<64x512xf32, #tpu.memory_space<vmem>>) target(%dma_start3A_255 : memref<64x512xf32, #tpu.memory_space<hbm>>) target_semaphore(%arg9 : memref<!tpu.dma_semaphore, #tpu.memory_space<semaphore_mem>>)
    %dma_start3A_256 = arith.constant 27 : i32
    %dma_start3A_257 = arith.constant 0 : i32
    %dma_start3A_258 = tpu.memref_slice %arg4[%dma_start3A_256, %mul3A_2, %dma_start3A_257] : memref<32x2048x512xf32, #tpu.memory_space<hbm>> -> memref<1x64x512xf32, #tpu.memory_space<hbm>>
    %dma_start3A_259 = tpu.memref_squeeze %dma_start3A_258 : memref<1x64x512xf32, #tpu.memory_space<hbm>> -> memref<64x512xf32, #tpu.memory_space<hbm>>
    %dma_start3A_260 = arith.constant 0 : i32
    %dma_start3A_261 = tpu.memref_slice %arg4[%dma_start3A_256, %mul3A_2, %dma_start3A_260] : memref<32x2048x512xf32, #tpu.memory_space<hbm>> -> memref<1x64x512xf32, #tpu.memory_space<hbm>>
    %dma_start3A_262 = tpu.memref_squeeze %dma_start3A_261 : memref<1x64x512xf32, #tpu.memory_space<hbm>> -> memref<64x512xf32, #tpu.memory_space<hbm>>
    tpu.enqueue_dma source(%arg7 : memref<64x512xf32, #tpu.memory_space<vmem>>) target(%dma_start3A_262 : memref<64x512xf32, #tpu.memory_space<hbm>>) target_semaphore(%arg9 : memref<!tpu.dma_semaphore, #tpu.memory_space<semaphore_mem>>)
    %dma_start3A_263 = arith.constant 28 : i32
    %dma_start3A_264 = arith.constant 0 : i32
    %dma_start3A_265 = tpu.memref_slice %arg4[%dma_start3A_263, %mul3A_2, %dma_start3A_264] : memref<32x2048x512xf32, #tpu.memory_space<hbm>> -> memref<1x64x512xf32, #tpu.memory_space<hbm>>
    %dma_start3A_266 = tpu.memref_squeeze %dma_start3A_265 : memref<1x64x512xf32, #tpu.memory_space<hbm>> -> memref<64x512xf32, #tpu.memory_space<hbm>>
    %dma_start3A_267 = arith.constant 0 : i32
    %dma_start3A_268 = tpu.memref_slice %arg4[%dma_start3A_263, %mul3A_2, %dma_start3A_267] : memref<32x2048x512xf32, #tpu.memory_space<hbm>> -> memref<1x64x512xf32, #tpu.memory_space<hbm>>
    %dma_start3A_269 = tpu.memref_squeeze %dma_start3A_268 : memref<1x64x512xf32, #tpu.memory_space<hbm>> -> memref<64x512xf32, #tpu.memory_space<hbm>>
    tpu.enqueue_dma source(%arg7 : memref<64x512xf32, #tpu.memory_space<vmem>>) target(%dma_start3A_269 : memref<64x512xf32, #tpu.memory_space<hbm>>) target_semaphore(%arg9 : memref<!tpu.dma_semaphore, #tpu.memory_space<semaphore_mem>>)
    %dma_start3A_270 = arith.constant 29 : i32
    %dma_start3A_271 = arith.constant 0 : i32
    %dma_start3A_272 = tpu.memref_slice %arg4[%dma_start3A_270, %mul3A_2, %dma_start3A_271] : memref<32x2048x512xf32, #tpu.memory_space<hbm>> -> memref<1x64x512xf32, #tpu.memory_space<hbm>>
    %dma_start3A_273 = tpu.memref_squeeze %dma_start3A_272 : memref<1x64x512xf32, #tpu.memory_space<hbm>> -> memref<64x512xf32, #tpu.memory_space<hbm>>
    %dma_start3A_274 = arith.constant 0 : i32
    %dma_start3A_275 = tpu.memref_slice %arg4[%dma_start3A_270, %mul3A_2, %dma_start3A_274] : memref<32x2048x512xf32, #tpu.memory_space<hbm>> -> memref<1x64x512xf32, #tpu.memory_space<hbm>>
    %dma_start3A_276 = tpu.memref_squeeze %dma_start3A_275 : memref<1x64x512xf32, #tpu.memory_space<hbm>> -> memref<64x512xf32, #tpu.memory_space<hbm>>
    tpu.enqueue_dma source(%arg7 : memref<64x512xf32, #tpu.memory_space<vmem>>) target(%dma_start3A_276 : memref<64x512xf32, #tpu.memory_space<hbm>>) target_semaphore(%arg9 : memref<!tpu.dma_semaphore, #tpu.memory_space<semaphore_mem>>)
    %dma_start3A_277 = arith.constant 30 : i32
    %dma_start3A_278 = arith.constant 0 : i32
    %dma_start3A_279 = tpu.memref_slice %arg4[%dma_start3A_277, %mul3A_2, %dma_start3A_278] : memref<32x2048x512xf32, #tpu.memory_space<hbm>> -> memref<1x64x512xf32, #tpu.memory_space<hbm>>
    %dma_start3A_280 = tpu.memref_squeeze %dma_start3A_279 : memref<1x64x512xf32, #tpu.memory_space<hbm>> -> memref<64x512xf32, #tpu.memory_space<hbm>>
    %dma_start3A_281 = arith.constant 0 : i32
    %dma_start3A_282 = tpu.memref_slice %arg4[%dma_start3A_277, %mul3A_2, %dma_start3A_281] : memref<32x2048x512xf32, #tpu.memory_space<hbm>> -> memref<1x64x512xf32, #tpu.memory_space<hbm>>
    %dma_start3A_283 = tpu.memref_squeeze %dma_start3A_282 : memref<1x64x512xf32, #tpu.memory_space<hbm>> -> memref<64x512xf32, #tpu.memory_space<hbm>>
    tpu.enqueue_dma source(%arg7 : memref<64x512xf32, #tpu.memory_space<vmem>>) target(%dma_start3A_283 : memref<64x512xf32, #tpu.memory_space<hbm>>) target_semaphore(%arg9 : memref<!tpu.dma_semaphore, #tpu.memory_space<semaphore_mem>>)
    %dma_start3A_284 = arith.constant 31 : i32
    %dma_start3A_285 = arith.constant 0 : i32
    %dma_start3A_286 = tpu.memref_slice %arg4[%dma_start3A_284, %mul3A_2, %dma_start3A_285] : memref<32x2048x512xf32, #tpu.memory_space<hbm>> -> memref<1x64x512xf32, #tpu.memory_space<hbm>>
    %dma_start3A_287 = tpu.memref_squeeze %dma_start3A_286 : memref<1x64x512xf32, #tpu.memory_space<hbm>> -> memref<64x512xf32, #tpu.memory_space<hbm>>
    %dma_start3A_288 = arith.constant 0 : i32
    %dma_start3A_289 = tpu.memref_slice %arg4[%dma_start3A_284, %mul3A_2, %dma_start3A_288] : memref<32x2048x512xf32, #tpu.memory_space<hbm>> -> memref<1x64x512xf32, #tpu.memory_space<hbm>>
    %dma_start3A_290 = tpu.memref_squeeze %dma_start3A_289 : memref<1x64x512xf32, #tpu.memory_space<hbm>> -> memref<64x512xf32, #tpu.memory_space<hbm>>
    tpu.enqueue_dma source(%arg7 : memref<64x512xf32, #tpu.memory_space<vmem>>) target(%dma_start3A_290 : memref<64x512xf32, #tpu.memory_space<hbm>>) target_semaphore(%arg9 : memref<!tpu.dma_semaphore, #tpu.memory_space<semaphore_mem>>)
    %dma_wait3A_291 = arith.constant 0 : i32
    %dma_wait3A_292 = arith.constant 0 : i32
    %dma_wait3A_293 = tpu.memref_slice %arg4[%dma_wait3A_291, %mul3A_2, %dma_wait3A_292] : memref<32x2048x512xf32, #tpu.memory_space<hbm>> -> memref<1x64x512xf32, #tpu.memory_space<hbm>>
    %dma_wait3A_294 = tpu.memref_squeeze %dma_wait3A_293 : memref<1x64x512xf32, #tpu.memory_space<hbm>> -> memref<64x512xf32, #tpu.memory_space<hbm>>
    %dma_wait3A_295 = arith.constant 0 : i32
    %dma_wait3A_296 = tpu.memref_slice %arg4[%dma_wait3A_291, %mul3A_2, %dma_wait3A_295] : memref<32x2048x512xf32, #tpu.memory_space<hbm>> -> memref<1x64x512xf32, #tpu.memory_space<hbm>>
    %dma_wait3A_297 = tpu.memref_squeeze %dma_wait3A_296 : memref<1x64x512xf32, #tpu.memory_space<hbm>> -> memref<64x512xf32, #tpu.memory_space<hbm>>
    tpu.wait_dma2 semaphore(%arg9 : memref<!tpu.dma_semaphore, #tpu.memory_space<semaphore_mem>>) src(%arg7 : memref<64x512xf32, #tpu.memory_space<vmem>>) dst(%dma_wait3A_297 : memref<64x512xf32, #tpu.memory_space<hbm>>)
    %dma_wait3A_298 = arith.constant 1 : i32
    %dma_wait3A_299 = arith.constant 0 : i32
    %dma_wait3A_300 = tpu.memref_slice %arg4[%dma_wait3A_298, %mul3A_2, %dma_wait3A_299] : memref<32x2048x512xf32, #tpu.memory_space<hbm>> -> memref<1x64x512xf32, #tpu.memory_space<hbm>>
    %dma_wait3A_301 = tpu.memref_squeeze %dma_wait3A_300 : memref<1x64x512xf32, #tpu.memory_space<hbm>> -> memref<64x512xf32, #tpu.memory_space<hbm>>
    %dma_wait3A_302 = arith.constant 0 : i32
    %dma_wait3A_303 = tpu.memref_slice %arg4[%dma_wait3A_298, %mul3A_2, %dma_wait3A_302] : memref<32x2048x512xf32, #tpu.memory_space<hbm>> -> memref<1x64x512xf32, #tpu.memory_space<hbm>>
    %dma_wait3A_304 = tpu.memref_squeeze %dma_wait3A_303 : memref<1x64x512xf32, #tpu.memory_space<hbm>> -> memref<64x512xf32, #tpu.memory_space<hbm>>
    tpu.wait_dma2 semaphore(%arg9 : memref<!tpu.dma_semaphore, #tpu.memory_space<semaphore_mem>>) src(%arg7 : memref<64x512xf32, #tpu.memory_space<vmem>>) dst(%dma_wait3A_304 : memref<64x512xf32, #tpu.memory_space<hbm>>)
    %dma_wait3A_305 = arith.constant 2 : i32
    %dma_wait3A_306 = arith.constant 0 : i32
    %dma_wait3A_307 = tpu.memref_slice %arg4[%dma_wait3A_305, %mul3A_2, %dma_wait3A_306] : memref<32x2048x512xf32, #tpu.memory_space<hbm>> -> memref<1x64x512xf32, #tpu.memory_space<hbm>>
    %dma_wait3A_308 = tpu.memref_squeeze %dma_wait3A_307 : memref<1x64x512xf32, #tpu.memory_space<hbm>> -> memref<64x512xf32, #tpu.memory_space<hbm>>
    %dma_wait3A_309 = arith.constant 0 : i32
    %dma_wait3A_310 = tpu.memref_slice %arg4[%dma_wait3A_305, %mul3A_2, %dma_wait3A_309] : memref<32x2048x512xf32, #tpu.memory_space<hbm>> -> memref<1x64x512xf32, #tpu.memory_space<hbm>>
    %dma_wait3A_311 = tpu.memref_squeeze %dma_wait3A_310 : memref<1x64x512xf32, #tpu.memory_space<hbm>> -> memref<64x512xf32, #tpu.memory_space<hbm>>
    tpu.wait_dma2 semaphore(%arg9 : memref<!tpu.dma_semaphore, #tpu.memory_space<semaphore_mem>>) src(%arg7 : memref<64x512xf32, #tpu.memory_space<vmem>>) dst(%dma_wait3A_311 : memref<64x512xf32, #tpu.memory_space<hbm>>)
    %dma_wait3A_312 = arith.constant 3 : i32
    %dma_wait3A_313 = arith.constant 0 : i32
    %dma_wait3A_314 = tpu.memref_slice %arg4[%dma_wait3A_312, %mul3A_2, %dma_wait3A_313] : memref<32x2048x512xf32, #tpu.memory_space<hbm>> -> memref<1x64x512xf32, #tpu.memory_space<hbm>>
    %dma_wait3A_315 = tpu.memref_squeeze %dma_wait3A_314 : memref<1x64x512xf32, #tpu.memory_space<hbm>> -> memref<64x512xf32, #tpu.memory_space<hbm>>
    %dma_wait3A_316 = arith.constant 0 : i32
    %dma_wait3A_317 = tpu.memref_slice %arg4[%dma_wait3A_312, %mul3A_2, %dma_wait3A_316] : memref<32x2048x512xf32, #tpu.memory_space<hbm>> -> memref<1x64x512xf32, #tpu.memory_space<hbm>>
    %dma_wait3A_318 = tpu.memref_squeeze %dma_wait3A_317 : memref<1x64x512xf32, #tpu.memory_space<hbm>> -> memref<64x512xf32, #tpu.memory_space<hbm>>
    tpu.wait_dma2 semaphore(%arg9 : memref<!tpu.dma_semaphore, #tpu.memory_space<semaphore_mem>>) src(%arg7 : memref<64x512xf32, #tpu.memory_space<vmem>>) dst(%dma_wait3A_318 : memref<64x512xf32, #tpu.memory_space<hbm>>)
    %dma_wait3A_319 = arith.constant 4 : i32
    %dma_wait3A_320 = arith.constant 0 : i32
    %dma_wait3A_321 = tpu.memref_slice %arg4[%dma_wait3A_319, %mul3A_2, %dma_wait3A_320] : memref<32x2048x512xf32, #tpu.memory_space<hbm>> -> memref<1x64x512xf32, #tpu.memory_space<hbm>>
    %dma_wait3A_322 = tpu.memref_squeeze %dma_wait3A_321 : memref<1x64x512xf32, #tpu.memory_space<hbm>> -> memref<64x512xf32, #tpu.memory_space<hbm>>
    %dma_wait3A_323 = arith.constant 0 : i32
    %dma_wait3A_324 = tpu.memref_slice %arg4[%dma_wait3A_319, %mul3A_2, %dma_wait3A_323] : memref<32x2048x512xf32, #tpu.memory_space<hbm>> -> memref<1x64x512xf32, #tpu.memory_space<hbm>>
    %dma_wait3A_325 = tpu.memref_squeeze %dma_wait3A_324 : memref<1x64x512xf32, #tpu.memory_space<hbm>> -> memref<64x512xf32, #tpu.memory_space<hbm>>
    tpu.wait_dma2 semaphore(%arg9 : memref<!tpu.dma_semaphore, #tpu.memory_space<semaphore_mem>>) src(%arg7 : memref<64x512xf32, #tpu.memory_space<vmem>>) dst(%dma_wait3A_325 : memref<64x512xf32, #tpu.memory_space<hbm>>)
    %dma_wait3A_326 = arith.constant 5 : i32
    %dma_wait3A_327 = arith.constant 0 : i32
    %dma_wait3A_328 = tpu.memref_slice %arg4[%dma_wait3A_326, %mul3A_2, %dma_wait3A_327] : memref<32x2048x512xf32, #tpu.memory_space<hbm>> -> memref<1x64x512xf32, #tpu.memory_space<hbm>>
    %dma_wait3A_329 = tpu.memref_squeeze %dma_wait3A_328 : memref<1x64x512xf32, #tpu.memory_space<hbm>> -> memref<64x512xf32, #tpu.memory_space<hbm>>
    %dma_wait3A_330 = arith.constant 0 : i32
    %dma_wait3A_331 = tpu.memref_slice %arg4[%dma_wait3A_326, %mul3A_2, %dma_wait3A_330] : memref<32x2048x512xf32, #tpu.memory_space<hbm>> -> memref<1x64x512xf32, #tpu.memory_space<hbm>>
    %dma_wait3A_332 = tpu.memref_squeeze %dma_wait3A_331 : memref<1x64x512xf32, #tpu.memory_space<hbm>> -> memref<64x512xf32, #tpu.memory_space<hbm>>
    tpu.wait_dma2 semaphore(%arg9 : memref<!tpu.dma_semaphore, #tpu.memory_space<semaphore_mem>>) src(%arg7 : memref<64x512xf32, #tpu.memory_space<vmem>>) dst(%dma_wait3A_332 : memref<64x512xf32, #tpu.memory_space<hbm>>)
    %dma_wait3A_333 = arith.constant 6 : i32
    %dma_wait3A_334 = arith.constant 0 : i32
    %dma_wait3A_335 = tpu.memref_slice %arg4[%dma_wait3A_333, %mul3A_2, %dma_wait3A_334] : memref<32x2048x512xf32, #tpu.memory_space<hbm>> -> memref<1x64x512xf32, #tpu.memory_space<hbm>>
    %dma_wait3A_336 = tpu.memref_squeeze %dma_wait3A_335 : memref<1x64x512xf32, #tpu.memory_space<hbm>> -> memref<64x512xf32, #tpu.memory_space<hbm>>
    %dma_wait3A_337 = arith.constant 0 : i32
    %dma_wait3A_338 = tpu.memref_slice %arg4[%dma_wait3A_333, %mul3A_2, %dma_wait3A_337] : memref<32x2048x512xf32, #tpu.memory_space<hbm>> -> memref<1x64x512xf32, #tpu.memory_space<hbm>>
    %dma_wait3A_339 = tpu.memref_squeeze %dma_wait3A_338 : memref<1x64x512xf32, #tpu.memory_space<hbm>> -> memref<64x512xf32, #tpu.memory_space<hbm>>
    tpu.wait_dma2 semaphore(%arg9 : memref<!tpu.dma_semaphore, #tpu.memory_space<semaphore_mem>>) src(%arg7 : memref<64x512xf32, #tpu.memory_space<vmem>>) dst(%dma_wait3A_339 : memref<64x512xf32, #tpu.memory_space<hbm>>)
    %dma_wait3A_340 = arith.constant 7 : i32
    %dma_wait3A_341 = arith.constant 0 : i32
    %dma_wait3A_342 = tpu.memref_slice %arg4[%dma_wait3A_340, %mul3A_2, %dma_wait3A_341] : memref<32x2048x512xf32, #tpu.memory_space<hbm>> -> memref<1x64x512xf32, #tpu.memory_space<hbm>>
    %dma_wait3A_343 = tpu.memref_squeeze %dma_wait3A_342 : memref<1x64x512xf32, #tpu.memory_space<hbm>> -> memref<64x512xf32, #tpu.memory_space<hbm>>
    %dma_wait3A_344 = arith.constant 0 : i32
    %dma_wait3A_345 = tpu.memref_slice %arg4[%dma_wait3A_340, %mul3A_2, %dma_wait3A_344] : memref<32x2048x512xf32, #tpu.memory_space<hbm>> -> memref<1x64x512xf32, #tpu.memory_space<hbm>>
    %dma_wait3A_346 = tpu.memref_squeeze %dma_wait3A_345 : memref<1x64x512xf32, #tpu.memory_space<hbm>> -> memref<64x512xf32, #tpu.memory_space<hbm>>
    tpu.wait_dma2 semaphore(%arg9 : memref<!tpu.dma_semaphore, #tpu.memory_space<semaphore_mem>>) src(%arg7 : memref<64x512xf32, #tpu.memory_space<vmem>>) dst(%dma_wait3A_346 : memref<64x512xf32, #tpu.memory_space<hbm>>)
    %dma_wait3A_347 = arith.constant 8 : i32
    %dma_wait3A_348 = arith.constant 0 : i32
    %dma_wait3A_349 = tpu.memref_slice %arg4[%dma_wait3A_347, %mul3A_2, %dma_wait3A_348] : memref<32x2048x512xf32, #tpu.memory_space<hbm>> -> memref<1x64x512xf32, #tpu.memory_space<hbm>>
    %dma_wait3A_350 = tpu.memref_squeeze %dma_wait3A_349 : memref<1x64x512xf32, #tpu.memory_space<hbm>> -> memref<64x512xf32, #tpu.memory_space<hbm>>
    %dma_wait3A_351 = arith.constant 0 : i32
    %dma_wait3A_352 = tpu.memref_slice %arg4[%dma_wait3A_347, %mul3A_2, %dma_wait3A_351] : memref<32x2048x512xf32, #tpu.memory_space<hbm>> -> memref<1x64x512xf32, #tpu.memory_space<hbm>>
    %dma_wait3A_353 = tpu.memref_squeeze %dma_wait3A_352 : memref<1x64x512xf32, #tpu.memory_space<hbm>> -> memref<64x512xf32, #tpu.memory_space<hbm>>
    tpu.wait_dma2 semaphore(%arg9 : memref<!tpu.dma_semaphore, #tpu.memory_space<semaphore_mem>>) src(%arg7 : memref<64x512xf32, #tpu.memory_space<vmem>>) dst(%dma_wait3A_353 : memref<64x512xf32, #tpu.memory_space<hbm>>)
    %dma_wait3A_354 = arith.constant 9 : i32
    %dma_wait3A_355 = arith.constant 0 : i32
    %dma_wait3A_356 = tpu.memref_slice %arg4[%dma_wait3A_354, %mul3A_2, %dma_wait3A_355] : memref<32x2048x512xf32, #tpu.memory_space<hbm>> -> memref<1x64x512xf32, #tpu.memory_space<hbm>>
    %dma_wait3A_357 = tpu.memref_squeeze %dma_wait3A_356 : memref<1x64x512xf32, #tpu.memory_space<hbm>> -> memref<64x512xf32, #tpu.memory_space<hbm>>
    %dma_wait3A_358 = arith.constant 0 : i32
    %dma_wait3A_359 = tpu.memref_slice %arg4[%dma_wait3A_354, %mul3A_2, %dma_wait3A_358] : memref<32x2048x512xf32, #tpu.memory_space<hbm>> -> memref<1x64x512xf32, #tpu.memory_space<hbm>>
    %dma_wait3A_360 = tpu.memref_squeeze %dma_wait3A_359 : memref<1x64x512xf32, #tpu.memory_space<hbm>> -> memref<64x512xf32, #tpu.memory_space<hbm>>
    tpu.wait_dma2 semaphore(%arg9 : memref<!tpu.dma_semaphore, #tpu.memory_space<semaphore_mem>>) src(%arg7 : memref<64x512xf32, #tpu.memory_space<vmem>>) dst(%dma_wait3A_360 : memref<64x512xf32, #tpu.memory_space<hbm>>)
    %dma_wait3A_361 = arith.constant 10 : i32
    %dma_wait3A_362 = arith.constant 0 : i32
    %dma_wait3A_363 = tpu.memref_slice %arg4[%dma_wait3A_361, %mul3A_2, %dma_wait3A_362] : memref<32x2048x512xf32, #tpu.memory_space<hbm>> -> memref<1x64x512xf32, #tpu.memory_space<hbm>>
    %dma_wait3A_364 = tpu.memref_squeeze %dma_wait3A_363 : memref<1x64x512xf32, #tpu.memory_space<hbm>> -> memref<64x512xf32, #tpu.memory_space<hbm>>
    %dma_wait3A_365 = arith.constant 0 : i32
    %dma_wait3A_366 = tpu.memref_slice %arg4[%dma_wait3A_361, %mul3A_2, %dma_wait3A_365] : memref<32x2048x512xf32, #tpu.memory_space<hbm>> -> memref<1x64x512xf32, #tpu.memory_space<hbm>>
    %dma_wait3A_367 = tpu.memref_squeeze %dma_wait3A_366 : memref<1x64x512xf32, #tpu.memory_space<hbm>> -> memref<64x512xf32, #tpu.memory_space<hbm>>
    tpu.wait_dma2 semaphore(%arg9 : memref<!tpu.dma_semaphore, #tpu.memory_space<semaphore_mem>>) src(%arg7 : memref<64x512xf32, #tpu.memory_space<vmem>>) dst(%dma_wait3A_367 : memref<64x512xf32, #tpu.memory_space<hbm>>)
    %dma_wait3A_368 = arith.constant 11 : i32
    %dma_wait3A_369 = arith.constant 0 : i32
    %dma_wait3A_370 = tpu.memref_slice %arg4[%dma_wait3A_368, %mul3A_2, %dma_wait3A_369] : memref<32x2048x512xf32, #tpu.memory_space<hbm>> -> memref<1x64x512xf32, #tpu.memory_space<hbm>>
    %dma_wait3A_371 = tpu.memref_squeeze %dma_wait3A_370 : memref<1x64x512xf32, #tpu.memory_space<hbm>> -> memref<64x512xf32, #tpu.memory_space<hbm>>
    %dma_wait3A_372 = arith.constant 0 : i32
    %dma_wait3A_373 = tpu.memref_slice %arg4[%dma_wait3A_368, %mul3A_2, %dma_wait3A_372] : memref<32x2048x512xf32, #tpu.memory_space<hbm>> -> memref<1x64x512xf32, #tpu.memory_space<hbm>>
    %dma_wait3A_374 = tpu.memref_squeeze %dma_wait3A_373 : memref<1x64x512xf32, #tpu.memory_space<hbm>> -> memref<64x512xf32, #tpu.memory_space<hbm>>
    tpu.wait_dma2 semaphore(%arg9 : memref<!tpu.dma_semaphore, #tpu.memory_space<semaphore_mem>>) src(%arg7 : memref<64x512xf32, #tpu.memory_space<vmem>>) dst(%dma_wait3A_374 : memref<64x512xf32, #tpu.memory_space<hbm>>)
    %dma_wait3A_375 = arith.constant 12 : i32
    %dma_wait3A_376 = arith.constant 0 : i32
    %dma_wait3A_377 = tpu.memref_slice %arg4[%dma_wait3A_375, %mul3A_2, %dma_wait3A_376] : memref<32x2048x512xf32, #tpu.memory_space<hbm>> -> memref<1x64x512xf32, #tpu.memory_space<hbm>>
    %dma_wait3A_378 = tpu.memref_squeeze %dma_wait3A_377 : memref<1x64x512xf32, #tpu.memory_space<hbm>> -> memref<64x512xf32, #tpu.memory_space<hbm>>
    %dma_wait3A_379 = arith.constant 0 : i32
    %dma_wait3A_380 = tpu.memref_slice %arg4[%dma_wait3A_375, %mul3A_2, %dma_wait3A_379] : memref<32x2048x512xf32, #tpu.memory_space<hbm>> -> memref<1x64x512xf32, #tpu.memory_space<hbm>>
    %dma_wait3A_381 = tpu.memref_squeeze %dma_wait3A_380 : memref<1x64x512xf32, #tpu.memory_space<hbm>> -> memref<64x512xf32, #tpu.memory_space<hbm>>
    tpu.wait_dma2 semaphore(%arg9 : memref<!tpu.dma_semaphore, #tpu.memory_space<semaphore_mem>>) src(%arg7 : memref<64x512xf32, #tpu.memory_space<vmem>>) dst(%dma_wait3A_381 : memref<64x512xf32, #tpu.memory_space<hbm>>)
    %dma_wait3A_382 = arith.constant 13 : i32
    %dma_wait3A_383 = arith.constant 0 : i32
    %dma_wait3A_384 = tpu.memref_slice %arg4[%dma_wait3A_382, %mul3A_2, %dma_wait3A_383] : memref<32x2048x512xf32, #tpu.memory_space<hbm>> -> memref<1x64x512xf32, #tpu.memory_space<hbm>>
    %dma_wait3A_385 = tpu.memref_squeeze %dma_wait3A_384 : memref<1x64x512xf32, #tpu.memory_space<hbm>> -> memref<64x512xf32, #tpu.memory_space<hbm>>
    %dma_wait3A_386 = arith.constant 0 : i32
    %dma_wait3A_387 = tpu.memref_slice %arg4[%dma_wait3A_382, %mul3A_2, %dma_wait3A_386] : memref<32x2048x512xf32, #tpu.memory_space<hbm>> -> memref<1x64x512xf32, #tpu.memory_space<hbm>>
    %dma_wait3A_388 = tpu.memref_squeeze %dma_wait3A_387 : memref<1x64x512xf32, #tpu.memory_space<hbm>> -> memref<64x512xf32, #tpu.memory_space<hbm>>
    tpu.wait_dma2 semaphore(%arg9 : memref<!tpu.dma_semaphore, #tpu.memory_space<semaphore_mem>>) src(%arg7 : memref<64x512xf32, #tpu.memory_space<vmem>>) dst(%dma_wait3A_388 : memref<64x512xf32, #tpu.memory_space<hbm>>)
    %dma_wait3A_389 = arith.constant 14 : i32
    %dma_wait3A_390 = arith.constant 0 : i32
    %dma_wait3A_391 = tpu.memref_slice %arg4[%dma_wait3A_389, %mul3A_2, %dma_wait3A_390] : memref<32x2048x512xf32, #tpu.memory_space<hbm>> -> memref<1x64x512xf32, #tpu.memory_space<hbm>>
    %dma_wait3A_392 = tpu.memref_squeeze %dma_wait3A_391 : memref<1x64x512xf32, #tpu.memory_space<hbm>> -> memref<64x512xf32, #tpu.memory_space<hbm>>
    %dma_wait3A_393 = arith.constant 0 : i32
    %dma_wait3A_394 = tpu.memref_slice %arg4[%dma_wait3A_389, %mul3A_2, %dma_wait3A_393] : memref<32x2048x512xf32, #tpu.memory_space<hbm>> -> memref<1x64x512xf32, #tpu.memory_space<hbm>>
    %dma_wait3A_395 = tpu.memref_squeeze %dma_wait3A_394 : memref<1x64x512xf32, #tpu.memory_space<hbm>> -> memref<64x512xf32, #tpu.memory_space<hbm>>
    tpu.wait_dma2 semaphore(%arg9 : memref<!tpu.dma_semaphore, #tpu.memory_space<semaphore_mem>>) src(%arg7 : memref<64x512xf32, #tpu.memory_space<vmem>>) dst(%dma_wait3A_395 : memref<64x512xf32, #tpu.memory_space<hbm>>)
    %dma_wait3A_396 = arith.constant 15 : i32
    %dma_wait3A_397 = arith.constant 0 : i32
    %dma_wait3A_398 = tpu.memref_slice %arg4[%dma_wait3A_396, %mul3A_2, %dma_wait3A_397] : memref<32x2048x512xf32, #tpu.memory_space<hbm>> -> memref<1x64x512xf32, #tpu.memory_space<hbm>>
    %dma_wait3A_399 = tpu.memref_squeeze %dma_wait3A_398 : memref<1x64x512xf32, #tpu.memory_space<hbm>> -> memref<64x512xf32, #tpu.memory_space<hbm>>
    %dma_wait3A_400 = arith.constant 0 : i32
    %dma_wait3A_401 = tpu.memref_slice %arg4[%dma_wait3A_396, %mul3A_2, %dma_wait3A_400] : memref<32x2048x512xf32, #tpu.memory_space<hbm>> -> memref<1x64x512xf32, #tpu.memory_space<hbm>>
    %dma_wait3A_402 = tpu.memref_squeeze %dma_wait3A_401 : memref<1x64x512xf32, #tpu.memory_space<hbm>> -> memref<64x512xf32, #tpu.memory_space<hbm>>
    tpu.wait_dma2 semaphore(%arg9 : memref<!tpu.dma_semaphore, #tpu.memory_space<semaphore_mem>>) src(%arg7 : memref<64x512xf32, #tpu.memory_space<vmem>>) dst(%dma_wait3A_402 : memref<64x512xf32, #tpu.memory_space<hbm>>)
    %dma_wait3A_403 = arith.constant 16 : i32
    %dma_wait3A_404 = arith.constant 0 : i32
    %dma_wait3A_405 = tpu.memref_slice %arg4[%dma_wait3A_403, %mul3A_2, %dma_wait3A_404] : memref<32x2048x512xf32, #tpu.memory_space<hbm>> -> memref<1x64x512xf32, #tpu.memory_space<hbm>>
    %dma_wait3A_406 = tpu.memref_squeeze %dma_wait3A_405 : memref<1x64x512xf32, #tpu.memory_space<hbm>> -> memref<64x512xf32, #tpu.memory_space<hbm>>
    %dma_wait3A_407 = arith.constant 0 : i32
    %dma_wait3A_408 = tpu.memref_slice %arg4[%dma_wait3A_403, %mul3A_2, %dma_wait3A_407] : memref<32x2048x512xf32, #tpu.memory_space<hbm>> -> memref<1x64x512xf32, #tpu.memory_space<hbm>>
    %dma_wait3A_409 = tpu.memref_squeeze %dma_wait3A_408 : memref<1x64x512xf32, #tpu.memory_space<hbm>> -> memref<64x512xf32, #tpu.memory_space<hbm>>
    tpu.wait_dma2 semaphore(%arg9 : memref<!tpu.dma_semaphore, #tpu.memory_space<semaphore_mem>>) src(%arg7 : memref<64x512xf32, #tpu.memory_space<vmem>>) dst(%dma_wait3A_409 : memref<64x512xf32, #tpu.memory_space<hbm>>)
    %dma_wait3A_410 = arith.constant 17 : i32
    %dma_wait3A_411 = arith.constant 0 : i32
    %dma_wait3A_412 = tpu.memref_slice %arg4[%dma_wait3A_410, %mul3A_2, %dma_wait3A_411] : memref<32x2048x512xf32, #tpu.memory_space<hbm>> -> memref<1x64x512xf32, #tpu.memory_space<hbm>>
    %dma_wait3A_413 = tpu.memref_squeeze %dma_wait3A_412 : memref<1x64x512xf32, #tpu.memory_space<hbm>> -> memref<64x512xf32, #tpu.memory_space<hbm>>
    %dma_wait3A_414 = arith.constant 0 : i32
    %dma_wait3A_415 = tpu.memref_slice %arg4[%dma_wait3A_410, %mul3A_2, %dma_wait3A_414] : memref<32x2048x512xf32, #tpu.memory_space<hbm>> -> memref<1x64x512xf32, #tpu.memory_space<hbm>>
    %dma_wait3A_416 = tpu.memref_squeeze %dma_wait3A_415 : memref<1x64x512xf32, #tpu.memory_space<hbm>> -> memref<64x512xf32, #tpu.memory_space<hbm>>
    tpu.wait_dma2 semaphore(%arg9 : memref<!tpu.dma_semaphore, #tpu.memory_space<semaphore_mem>>) src(%arg7 : memref<64x512xf32, #tpu.memory_space<vmem>>) dst(%dma_wait3A_416 : memref<64x512xf32, #tpu.memory_space<hbm>>)
    %dma_wait3A_417 = arith.constant 18 : i32
    %dma_wait3A_418 = arith.constant 0 : i32
    %dma_wait3A_419 = tpu.memref_slice %arg4[%dma_wait3A_417, %mul3A_2, %dma_wait3A_418] : memref<32x2048x512xf32, #tpu.memory_space<hbm>> -> memref<1x64x512xf32, #tpu.memory_space<hbm>>
    %dma_wait3A_420 = tpu.memref_squeeze %dma_wait3A_419 : memref<1x64x512xf32, #tpu.memory_space<hbm>> -> memref<64x512xf32, #tpu.memory_space<hbm>>
    %dma_wait3A_421 = arith.constant 0 : i32
    %dma_wait3A_422 = tpu.memref_slice %arg4[%dma_wait3A_417, %mul3A_2, %dma_wait3A_421] : memref<32x2048x512xf32, #tpu.memory_space<hbm>> -> memref<1x64x512xf32, #tpu.memory_space<hbm>>
    %dma_wait3A_423 = tpu.memref_squeeze %dma_wait3A_422 : memref<1x64x512xf32, #tpu.memory_space<hbm>> -> memref<64x512xf32, #tpu.memory_space<hbm>>
    tpu.wait_dma2 semaphore(%arg9 : memref<!tpu.dma_semaphore, #tpu.memory_space<semaphore_mem>>) src(%arg7 : memref<64x512xf32, #tpu.memory_space<vmem>>) dst(%dma_wait3A_423 : memref<64x512xf32, #tpu.memory_space<hbm>>)
    %dma_wait3A_424 = arith.constant 19 : i32
    %dma_wait3A_425 = arith.constant 0 : i32
    %dma_wait3A_426 = tpu.memref_slice %arg4[%dma_wait3A_424, %mul3A_2, %dma_wait3A_425] : memref<32x2048x512xf32, #tpu.memory_space<hbm>> -> memref<1x64x512xf32, #tpu.memory_space<hbm>>
    %dma_wait3A_427 = tpu.memref_squeeze %dma_wait3A_426 : memref<1x64x512xf32, #tpu.memory_space<hbm>> -> memref<64x512xf32, #tpu.memory_space<hbm>>
    %dma_wait3A_428 = arith.constant 0 : i32
    %dma_wait3A_429 = tpu.memref_slice %arg4[%dma_wait3A_424, %mul3A_2, %dma_wait3A_428] : memref<32x2048x512xf32, #tpu.memory_space<hbm>> -> memref<1x64x512xf32, #tpu.memory_space<hbm>>
    %dma_wait3A_430 = tpu.memref_squeeze %dma_wait3A_429 : memref<1x64x512xf32, #tpu.memory_space<hbm>> -> memref<64x512xf32, #tpu.memory_space<hbm>>
    tpu.wait_dma2 semaphore(%arg9 : memref<!tpu.dma_semaphore, #tpu.memory_space<semaphore_mem>>) src(%arg7 : memref<64x512xf32, #tpu.memory_space<vmem>>) dst(%dma_wait3A_430 : memref<64x512xf32, #tpu.memory_space<hbm>>)
    %dma_wait3A_431 = arith.constant 20 : i32
    %dma_wait3A_432 = arith.constant 0 : i32
    %dma_wait3A_433 = tpu.memref_slice %arg4[%dma_wait3A_431, %mul3A_2, %dma_wait3A_432] : memref<32x2048x512xf32, #tpu.memory_space<hbm>> -> memref<1x64x512xf32, #tpu.memory_space<hbm>>
    %dma_wait3A_434 = tpu.memref_squeeze %dma_wait3A_433 : memref<1x64x512xf32, #tpu.memory_space<hbm>> -> memref<64x512xf32, #tpu.memory_space<hbm>>
    %dma_wait3A_435 = arith.constant 0 : i32
    %dma_wait3A_436 = tpu.memref_slice %arg4[%dma_wait3A_431, %mul3A_2, %dma_wait3A_435] : memref<32x2048x512xf32, #tpu.memory_space<hbm>> -> memref<1x64x512xf32, #tpu.memory_space<hbm>>
    %dma_wait3A_437 = tpu.memref_squeeze %dma_wait3A_436 : memref<1x64x512xf32, #tpu.memory_space<hbm>> -> memref<64x512xf32, #tpu.memory_space<hbm>>
    tpu.wait_dma2 semaphore(%arg9 : memref<!tpu.dma_semaphore, #tpu.memory_space<semaphore_mem>>) src(%arg7 : memref<64x512xf32, #tpu.memory_space<vmem>>) dst(%dma_wait3A_437 : memref<64x512xf32, #tpu.memory_space<hbm>>)
    %dma_wait3A_438 = arith.constant 21 : i32
    %dma_wait3A_439 = arith.constant 0 : i32
    %dma_wait3A_440 = tpu.memref_slice %arg4[%dma_wait3A_438, %mul3A_2, %dma_wait3A_439] : memref<32x2048x512xf32, #tpu.memory_space<hbm>> -> memref<1x64x512xf32, #tpu.memory_space<hbm>>
    %dma_wait3A_441 = tpu.memref_squeeze %dma_wait3A_440 : memref<1x64x512xf32, #tpu.memory_space<hbm>> -> memref<64x512xf32, #tpu.memory_space<hbm>>
    %dma_wait3A_442 = arith.constant 0 : i32
    %dma_wait3A_443 = tpu.memref_slice %arg4[%dma_wait3A_438, %mul3A_2, %dma_wait3A_442] : memref<32x2048x512xf32, #tpu.memory_space<hbm>> -> memref<1x64x512xf32, #tpu.memory_space<hbm>>
    %dma_wait3A_444 = tpu.memref_squeeze %dma_wait3A_443 : memref<1x64x512xf32, #tpu.memory_space<hbm>> -> memref<64x512xf32, #tpu.memory_space<hbm>>
    tpu.wait_dma2 semaphore(%arg9 : memref<!tpu.dma_semaphore, #tpu.memory_space<semaphore_mem>>) src(%arg7 : memref<64x512xf32, #tpu.memory_space<vmem>>) dst(%dma_wait3A_444 : memref<64x512xf32, #tpu.memory_space<hbm>>)
    %dma_wait3A_445 = arith.constant 22 : i32
    %dma_wait3A_446 = arith.constant 0 : i32
    %dma_wait3A_447 = tpu.memref_slice %arg4[%dma_wait3A_445, %mul3A_2, %dma_wait3A_446] : memref<32x2048x512xf32, #tpu.memory_space<hbm>> -> memref<1x64x512xf32, #tpu.memory_space<hbm>>
    %dma_wait3A_448 = tpu.memref_squeeze %dma_wait3A_447 : memref<1x64x512xf32, #tpu.memory_space<hbm>> -> memref<64x512xf32, #tpu.memory_space<hbm>>
    %dma_wait3A_449 = arith.constant 0 : i32
    %dma_wait3A_450 = tpu.memref_slice %arg4[%dma_wait3A_445, %mul3A_2, %dma_wait3A_449] : memref<32x2048x512xf32, #tpu.memory_space<hbm>> -> memref<1x64x512xf32, #tpu.memory_space<hbm>>
    %dma_wait3A_451 = tpu.memref_squeeze %dma_wait3A_450 : memref<1x64x512xf32, #tpu.memory_space<hbm>> -> memref<64x512xf32, #tpu.memory_space<hbm>>
    tpu.wait_dma2 semaphore(%arg9 : memref<!tpu.dma_semaphore, #tpu.memory_space<semaphore_mem>>) src(%arg7 : memref<64x512xf32, #tpu.memory_space<vmem>>) dst(%dma_wait3A_451 : memref<64x512xf32, #tpu.memory_space<hbm>>)
    %dma_wait3A_452 = arith.constant 23 : i32
    %dma_wait3A_453 = arith.constant 0 : i32
    %dma_wait3A_454 = tpu.memref_slice %arg4[%dma_wait3A_452, %mul3A_2, %dma_wait3A_453] : memref<32x2048x512xf32, #tpu.memory_space<hbm>> -> memref<1x64x512xf32, #tpu.memory_space<hbm>>
    %dma_wait3A_455 = tpu.memref_squeeze %dma_wait3A_454 : memref<1x64x512xf32, #tpu.memory_space<hbm>> -> memref<64x512xf32, #tpu.memory_space<hbm>>
    %dma_wait3A_456 = arith.constant 0 : i32
    %dma_wait3A_457 = tpu.memref_slice %arg4[%dma_wait3A_452, %mul3A_2, %dma_wait3A_456] : memref<32x2048x512xf32, #tpu.memory_space<hbm>> -> memref<1x64x512xf32, #tpu.memory_space<hbm>>
    %dma_wait3A_458 = tpu.memref_squeeze %dma_wait3A_457 : memref<1x64x512xf32, #tpu.memory_space<hbm>> -> memref<64x512xf32, #tpu.memory_space<hbm>>
    tpu.wait_dma2 semaphore(%arg9 : memref<!tpu.dma_semaphore, #tpu.memory_space<semaphore_mem>>) src(%arg7 : memref<64x512xf32, #tpu.memory_space<vmem>>) dst(%dma_wait3A_458 : memref<64x512xf32, #tpu.memory_space<hbm>>)
    %dma_wait3A_459 = arith.constant 24 : i32
    %dma_wait3A_460 = arith.constant 0 : i32
    %dma_wait3A_461 = tpu.memref_slice %arg4[%dma_wait3A_459, %mul3A_2, %dma_wait3A_460] : memref<32x2048x512xf32, #tpu.memory_space<hbm>> -> memref<1x64x512xf32, #tpu.memory_space<hbm>>
    %dma_wait3A_462 = tpu.memref_squeeze %dma_wait3A_461 : memref<1x64x512xf32, #tpu.memory_space<hbm>> -> memref<64x512xf32, #tpu.memory_space<hbm>>
    %dma_wait3A_463 = arith.constant 0 : i32
    %dma_wait3A_464 = tpu.memref_slice %arg4[%dma_wait3A_459, %mul3A_2, %dma_wait3A_463] : memref<32x2048x512xf32, #tpu.memory_space<hbm>> -> memref<1x64x512xf32, #tpu.memory_space<hbm>>
    %dma_wait3A_465 = tpu.memref_squeeze %dma_wait3A_464 : memref<1x64x512xf32, #tpu.memory_space<hbm>> -> memref<64x512xf32, #tpu.memory_space<hbm>>
    tpu.wait_dma2 semaphore(%arg9 : memref<!tpu.dma_semaphore, #tpu.memory_space<semaphore_mem>>) src(%arg7 : memref<64x512xf32, #tpu.memory_space<vmem>>) dst(%dma_wait3A_465 : memref<64x512xf32, #tpu.memory_space<hbm>>)
    %dma_wait3A_466 = arith.constant 25 : i32
    %dma_wait3A_467 = arith.constant 0 : i32
    %dma_wait3A_468 = tpu.memref_slice %arg4[%dma_wait3A_466, %mul3A_2, %dma_wait3A_467] : memref<32x2048x512xf32, #tpu.memory_space<hbm>> -> memref<1x64x512xf32, #tpu.memory_space<hbm>>
    %dma_wait3A_469 = tpu.memref_squeeze %dma_wait3A_468 : memref<1x64x512xf32, #tpu.memory_space<hbm>> -> memref<64x512xf32, #tpu.memory_space<hbm>>
    %dma_wait3A_470 = arith.constant 0 : i32
    %dma_wait3A_471 = tpu.memref_slice %arg4[%dma_wait3A_466, %mul3A_2, %dma_wait3A_470] : memref<32x2048x512xf32, #tpu.memory_space<hbm>> -> memref<1x64x512xf32, #tpu.memory_space<hbm>>
    %dma_wait3A_472 = tpu.memref_squeeze %dma_wait3A_471 : memref<1x64x512xf32, #tpu.memory_space<hbm>> -> memref<64x512xf32, #tpu.memory_space<hbm>>
    tpu.wait_dma2 semaphore(%arg9 : memref<!tpu.dma_semaphore, #tpu.memory_space<semaphore_mem>>) src(%arg7 : memref<64x512xf32, #tpu.memory_space<vmem>>) dst(%dma_wait3A_472 : memref<64x512xf32, #tpu.memory_space<hbm>>)
    %dma_wait3A_473 = arith.constant 26 : i32
    %dma_wait3A_474 = arith.constant 0 : i32
    %dma_wait3A_475 = tpu.memref_slice %arg4[%dma_wait3A_473, %mul3A_2, %dma_wait3A_474] : memref<32x2048x512xf32, #tpu.memory_space<hbm>> -> memref<1x64x512xf32, #tpu.memory_space<hbm>>
    %dma_wait3A_476 = tpu.memref_squeeze %dma_wait3A_475 : memref<1x64x512xf32, #tpu.memory_space<hbm>> -> memref<64x512xf32, #tpu.memory_space<hbm>>
    %dma_wait3A_477 = arith.constant 0 : i32
    %dma_wait3A_478 = tpu.memref_slice %arg4[%dma_wait3A_473, %mul3A_2, %dma_wait3A_477] : memref<32x2048x512xf32, #tpu.memory_space<hbm>> -> memref<1x64x512xf32, #tpu.memory_space<hbm>>
    %dma_wait3A_479 = tpu.memref_squeeze %dma_wait3A_478 : memref<1x64x512xf32, #tpu.memory_space<hbm>> -> memref<64x512xf32, #tpu.memory_space<hbm>>
    tpu.wait_dma2 semaphore(%arg9 : memref<!tpu.dma_semaphore, #tpu.memory_space<semaphore_mem>>) src(%arg7 : memref<64x512xf32, #tpu.memory_space<vmem>>) dst(%dma_wait3A_479 : memref<64x512xf32, #tpu.memory_space<hbm>>)
    %dma_wait3A_480 = arith.constant 27 : i32
    %dma_wait3A_481 = arith.constant 0 : i32
    %dma_wait3A_482 = tpu.memref_slice %arg4[%dma_wait3A_480, %mul3A_2, %dma_wait3A_481] : memref<32x2048x512xf32, #tpu.memory_space<hbm>> -> memref<1x64x512xf32, #tpu.memory_space<hbm>>
    %dma_wait3A_483 = tpu.memref_squeeze %dma_wait3A_482 : memref<1x64x512xf32, #tpu.memory_space<hbm>> -> memref<64x512xf32, #tpu.memory_space<hbm>>
    %dma_wait3A_484 = arith.constant 0 : i32
    %dma_wait3A_485 = tpu.memref_slice %arg4[%dma_wait3A_480, %mul3A_2, %dma_wait3A_484] : memref<32x2048x512xf32, #tpu.memory_space<hbm>> -> memref<1x64x512xf32, #tpu.memory_space<hbm>>
    %dma_wait3A_486 = tpu.memref_squeeze %dma_wait3A_485 : memref<1x64x512xf32, #tpu.memory_space<hbm>> -> memref<64x512xf32, #tpu.memory_space<hbm>>
    tpu.wait_dma2 semaphore(%arg9 : memref<!tpu.dma_semaphore, #tpu.memory_space<semaphore_mem>>) src(%arg7 : memref<64x512xf32, #tpu.memory_space<vmem>>) dst(%dma_wait3A_486 : memref<64x512xf32, #tpu.memory_space<hbm>>)
    %dma_wait3A_487 = arith.constant 28 : i32
    %dma_wait3A_488 = arith.constant 0 : i32
    %dma_wait3A_489 = tpu.memref_slice %arg4[%dma_wait3A_487, %mul3A_2, %dma_wait3A_488] : memref<32x2048x512xf32, #tpu.memory_space<hbm>> -> memref<1x64x512xf32, #tpu.memory_space<hbm>>
    %dma_wait3A_490 = tpu.memref_squeeze %dma_wait3A_489 : memref<1x64x512xf32, #tpu.memory_space<hbm>> -> memref<64x512xf32, #tpu.memory_space<hbm>>
    %dma_wait3A_491 = arith.constant 0 : i32
    %dma_wait3A_492 = tpu.memref_slice %arg4[%dma_wait3A_487, %mul3A_2, %dma_wait3A_491] : memref<32x2048x512xf32, #tpu.memory_space<hbm>> -> memref<1x64x512xf32, #tpu.memory_space<hbm>>
    %dma_wait3A_493 = tpu.memref_squeeze %dma_wait3A_492 : memref<1x64x512xf32, #tpu.memory_space<hbm>> -> memref<64x512xf32, #tpu.memory_space<hbm>>
    tpu.wait_dma2 semaphore(%arg9 : memref<!tpu.dma_semaphore, #tpu.memory_space<semaphore_mem>>) src(%arg7 : memref<64x512xf32, #tpu.memory_space<vmem>>) dst(%dma_wait3A_493 : memref<64x512xf32, #tpu.memory_space<hbm>>)
    %dma_wait3A_494 = arith.constant 29 : i32
    %dma_wait3A_495 = arith.constant 0 : i32
    %dma_wait3A_496 = tpu.memref_slice %arg4[%dma_wait3A_494, %mul3A_2, %dma_wait3A_495] : memref<32x2048x512xf32, #tpu.memory_space<hbm>> -> memref<1x64x512xf32, #tpu.memory_space<hbm>>
    %dma_wait3A_497 = tpu.memref_squeeze %dma_wait3A_496 : memref<1x64x512xf32, #tpu.memory_space<hbm>> -> memref<64x512xf32, #tpu.memory_space<hbm>>
    %dma_wait3A_498 = arith.constant 0 : i32
    %dma_wait3A_499 = tpu.memref_slice %arg4[%dma_wait3A_494, %mul3A_2, %dma_wait3A_498] : memref<32x2048x512xf32, #tpu.memory_space<hbm>> -> memref<1x64x512xf32, #tpu.memory_space<hbm>>
    %dma_wait3A_500 = tpu.memref_squeeze %dma_wait3A_499 : memref<1x64x512xf32, #tpu.memory_space<hbm>> -> memref<64x512xf32, #tpu.memory_space<hbm>>
    tpu.wait_dma2 semaphore(%arg9 : memref<!tpu.dma_semaphore, #tpu.memory_space<semaphore_mem>>) src(%arg7 : memref<64x512xf32, #tpu.memory_space<vmem>>) dst(%dma_wait3A_500 : memref<64x512xf32, #tpu.memory_space<hbm>>)
    %dma_wait3A_501 = arith.constant 30 : i32
    %dma_wait3A_502 = arith.constant 0 : i32
    %dma_wait3A_503 = tpu.memref_slice %arg4[%dma_wait3A_501, %mul3A_2, %dma_wait3A_502] : memref<32x2048x512xf32, #tpu.memory_space<hbm>> -> memref<1x64x512xf32, #tpu.memory_space<hbm>>
    %dma_wait3A_504 = tpu.memref_squeeze %dma_wait3A_503 : memref<1x64x512xf32, #tpu.memory_space<hbm>> -> memref<64x512xf32, #tpu.memory_space<hbm>>
    %dma_wait3A_505 = arith.constant 0 : i32
    %dma_wait3A_506 = tpu.memref_slice %arg4[%dma_wait3A_501, %mul3A_2, %dma_wait3A_505] : memref<32x2048x512xf32, #tpu.memory_space<hbm>> -> memref<1x64x512xf32, #tpu.memory_space<hbm>>
    %dma_wait3A_507 = tpu.memref_squeeze %dma_wait3A_506 : memref<1x64x512xf32, #tpu.memory_space<hbm>> -> memref<64x512xf32, #tpu.memory_space<hbm>>
    tpu.wait_dma2 semaphore(%arg9 : memref<!tpu.dma_semaphore, #tpu.memory_space<semaphore_mem>>) src(%arg7 : memref<64x512xf32, #tpu.memory_space<vmem>>) dst(%dma_wait3A_507 : memref<64x512xf32, #tpu.memory_space<hbm>>)
    %dma_wait3A_508 = arith.constant 31 : i32
    %dma_wait3A_509 = arith.constant 0 : i32
    %dma_wait3A_510 = tpu.memref_slice %arg4[%dma_wait3A_508, %mul3A_2, %dma_wait3A_509] : memref<32x2048x512xf32, #tpu.memory_space<hbm>> -> memref<1x64x512xf32, #tpu.memory_space<hbm>>
    %dma_wait3A_511 = tpu.memref_squeeze %dma_wait3A_510 : memref<1x64x512xf32, #tpu.memory_space<hbm>> -> memref<64x512xf32, #tpu.memory_space<hbm>>
    %dma_wait3A_512 = arith.constant 0 : i32
    %dma_wait3A_513 = tpu.memref_slice %arg4[%dma_wait3A_508, %mul3A_2, %dma_wait3A_512] : memref<32x2048x512xf32, #tpu.memory_space<hbm>> -> memref<1x64x512xf32, #tpu.memory_space<hbm>>
    %dma_wait3A_514 = tpu.memref_squeeze %dma_wait3A_513 : memref<1x64x512xf32, #tpu.memory_space<hbm>> -> memref<64x512xf32, #tpu.memory_space<hbm>>
    tpu.wait_dma2 semaphore(%arg9 : memref<!tpu.dma_semaphore, #tpu.memory_space<semaphore_mem>>) src(%arg7 : memref<64x512xf32, #tpu.memory_space<vmem>>) dst(%dma_wait3A_514 : memref<64x512xf32, #tpu.memory_space<hbm>>)
    return
  }
}

</mosaic_0001>

<sc_bundles>
// kernel: kernel.3.cloned.1.call-start
scs
__scs_entry_jumppad:
0x0: {  	(pc) =	sbr.rel $0x88, $3  }
0x1: {  	(tag) =	ssettag $0x0;
	lr =	simm.s32 $0x1  }
0x2: {  	[smem:$0x3F9F] =	sst lr;
	_ =	strace $0xD0000000  }
0x3: {  	_ = 	snop  }
0x4: {  	_ = 	snop  }
0x5: {  	_ = 	snop  }
0x6: {  	_ = 	snop  }
0x7: {  	_ = 	snop  }
__scs_overlays_trampoline_lowered:
0x8: {  	[smem:$0x3FAE] =	sst s0  }
0x9: {  	[smem:$0x3FAF] =	sst s1  }
0xa: {  	[smem:$0x3FB0] =	sst s2  }
0xb: {  	[smem:$0x3FB1] =	sst s3  }
0xc: {  	[smem:$0x3FB2] =	sst s4  }
0xd: {  	[smem:$0x3FB3] =	sst s5  }
0xe: {  	[smem:$0x3FB4] =	sst s6  }
0xf: {  	[smem:$0x3FB5] =	sst s7  }
0x10: {  	[smem:$0x3FB6] =	sst s8  }
0x11: {  	[smem:$0x3FB7] =	sst s9;
	s0 =	simm.s32 @!p0 $0x0  }
0x12: {  	s1 =	sld [smem:$0x3F9D];
	s0 =	simm.s32 @p0 $0x1  }
0x13: {  	[smem:$0x3FB8] =	sst s0;
	s0 =	simm.s32 @!p1 $0x0  }
0x14: {  	s2 =	sld [smem:$0x3F9C];
	s0 =	simm.s32 @p1 $0x1  }
0x15: {  	[smem:$0x3FB9] =	sst s0;
	s0 =	simm.s32 @!p2 $0x0  }
0x16: {  	s3 =	sld [smem:$0x3FDB];
	s0 =	simm.s32 @p2 $0x1  }
0x17: {  	s4 =	simm.s32 $0x1BF5;
	[smem:$0x3FBB] =	sst s0  }
0x18: {  	s0 =	sld [smem:$0x3F9E];
	_ =	swait.ge [sflag:s4], $0x0  }
0x19: {  	s7 =	sld [smem:$0x3F9F]  }
0x1a: {  	s8 =	sadd.s32 $0xFFFFE003, lr  }
0x1b: {  	s9 =	sadd.s32 $0xFFFFFEF7, lr;
	s5 =	simm.s32 $0xFFFFFFFF;
	p2 =	slt.u32 s8, $0xFFFFF086  }
0x1c: {  	p1 =	slt.u32 s9, $0xF7A;
	s5 =	simm.s32 @!p2 $0x0  }
0x1d: {  	s5 =	simm.s32 @p1 $0x1;
	p0 =	seq.s32 s7, s2  }
0x1e: {  	s7 =	smul.u32 @!p0 $0xF7A, s2;
	p2 =	seq.s32 @!p0 s5, $0x0  }
0x1f: {  	s9 =	smul.u32 $0xF7A, s1;
	s8 =	simm.s32 @!p0 $0x1BF5;
	p2 =	por !p2, p0  }
0x20: {  	[sflag:s8] =	ssyncset.s32 @!p0 $0xFFFFF086;
	s6 =	sadd.s32 @!p0 s3, s7;
	s7 =	simm.s32 @!p0 $0x108  }
0x21: {  	s3 =	sadd.s32 s3, s9;
	s6 =	sadd.s32 @!p0 $0x88, s6;
	s7 =	simm.s32 @p2 $0x1082  }
0x22: {  	[simem:s7], [sflag:s8] =	dma.local @!p0 [hbm:s6], $0xF7A  }
0x23: {  	s9 =	sor.u32 $0xD0000000, s2;
	s6 =	simm.s32 $0x108;
	_ =	swait.ge @!p0 [sflag:s8], $0x0  }
0x24: {  	s3 =	sadd.s32 $0x88, s3;
	s6 =	simm.s32 @!p1 $0x1082;
	[sflag:s4] =	ssyncset.s32 $0xFFFFF086  }
0x25: {  	[simem:s6], [sflag:s4] =	dma.local [hbm:s3], $0xF7A  }
0x26: {  	[smem:$0x3F9F] =	sst s1;
	(tag) =	ssettag s2;
	_ =	strace s9  }
0x27: {  	s1 =	sld [smem:$0x3FAF]  }
0x28: {  	s2 =	sld [smem:$0x3FB0]  }
0x29: {  	s4 =	sld [smem:$0x3FB2]  }
0x2a: {  	p0 =	seq.s32 s5, $0x0;
	s5 =	sld [smem:$0x3FB3]  }
0x2b: {  	s6 =	sld [smem:$0x3FB4]  }
0x2c: {  	s7 =	sld [smem:$0x3FB5]  }
0x2d: {  	s3 =	simm.s32 $0x108;
	s8 =	sld [smem:$0x3FB6]  }
0x2e: {  	s3 =	simm.s32 @!p0 $0x1082;
	s9 =	sld [smem:$0x3FB7]  }
0x2f: {  	lr =	sadd.s32 s0, s3;
	s0 =	sld [smem:$0x3FAE]  }
0x30: {  	s3 =	sld [smem:$0x3FB1]  }
0x31: {  	[smem:$0x3FBA] =	sst s10  }
0x32: {  	s10 =	sld [smem:$0x3FB8];
	_ =	sdelay $0x3  }
0x33: {  	p0 =	seq.s32 s10, $0x1;
	s10 =	sld [smem:$0x3FBA];
	_ =	sdelay $0x3  }
0x34: {  	[smem:$0x3FBA] =	sst s10  }
0x35: {  	s10 =	sld [smem:$0x3FB9];
	_ =	sdelay $0x3  }
0x36: {  	p1 =	seq.s32 s10, $0x1;
	s10 =	sld [smem:$0x3FBA];
	_ =	sdelay $0x3  }
0x37: {  	[smem:$0x3FBA] =	sst s10  }
0x38: {  	s10 =	sld [smem:$0x3FBB]  }
0x39: {  	_ = 	snop;
	(pc) =	sbr.ind lr, $3  }
0x3a: {  	_ = 	snop  }
0x3b: {  	_ = 	snop  }
0x3c: {  	p2 =	seq.s32 s10, $0x1;
	s10 =	sld [smem:$0x3FBA]  }
0x3d: {  	_ =	shalt  }
0x3e: {  	_ =	shalt  }
0x3f: {  	_ =	shalt  }
0x40: {  	_ =	shalt  }
0x41: {  	_ =	shalt  }
0x42: {  	_ =	shalt  }
0x43: {  	_ =	shalt  }
0x44: {  	_ =	shalt  }
0x45: {  	_ =	shalt  }
0x46: {  	_ =	shalt  }
0x47: {  	_ =	shalt  }
0x48: {  	_ =	shalt  }
0x49: {  	_ =	shalt  }
0x4a: {  	_ =	shalt  }
0x4b: {  	_ =	shalt  }
0x4c: {  	_ =	shalt  }
0x4d: {  	_ =	shalt  }
0x4e: {  	_ =	shalt  }
0x4f: {  	_ =	shalt  }
0x50: {  	_ =	shalt  }
0x51: {  	_ =	shalt  }
0x52: {  	_ =	shalt  }
0x53: {  	_ =	shalt  }
0x54: {  	_ =	shalt  }
0x55: {  	_ =	shalt  }
0x56: {  	_ =	shalt  }
0x57: {  	_ =	shalt  }
0x58: {  	_ =	shalt  }
0x59: {  	_ =	shalt  }
0x5a: {  	_ =	shalt  }
0x5b: {  	_ =	shalt  }
0x5c: {  	_ =	shalt  }
0x5d: {  	_ =	shalt  }
0x5e: {  	_ =	shalt  }
0x5f: {  	_ =	shalt  }
0x60: {  	_ =	shalt  }
0x61: {  	_ =	shalt  }
0x62: {  	_ =	shalt  }
0x63: {  	_ =	shalt  }
0x64: {  	_ =	shalt  }
0x65: {  	_ =	shalt  }
0x66: {  	_ =	shalt  }
0x67: {  	_ =	shalt  }
0x68: {  	_ =	shalt  }
0x69: {  	_ =	shalt  }
0x6a: {  	_ =	shalt  }
0x6b: {  	_ =	shalt  }
0x6c: {  	_ =	shalt  }
0x6d: {  	_ =	shalt  }
0x6e: {  	_ =	shalt  }
0x6f: {  	_ =	shalt  }
0x70: {  	_ =	shalt  }
0x71: {  	_ =	shalt  }
0x72: {  	_ =	shalt  }
0x73: {  	_ =	shalt  }
0x74: {  	_ =	shalt  }
0x75: {  	_ =	shalt  }
0x76: {  	_ =	shalt  }
0x77: {  	_ =	shalt  }
0x78: {  	_ =	shalt  }
0x79: {  	_ =	shalt  }
0x7a: {  	_ =	shalt  }
0x7b: {  	_ =	shalt  }
0x7c: {  	_ =	shalt  }
0x7d: {  	_ =	shalt  }
0x7e: {  	_ =	shalt  }
0x7f: {  	_ =	shalt  }
0x80: {  	_ =	shalt  }
0x81: {  	_ =	shalt  }
0x82: {  	_ =	shalt  }
0x83: {  	_ =	shalt  }
0x84: {  	_ =	shalt  }
0x85: {  	_ =	shalt  }
0x86: {  	_ =	shalt  }
0x87: {  	_ =	shalt  }
.Lfunc_end0:
.L_simem_size_0:
called_computation_lowered:
.L_overlay_start_0:
0x88: {  	s2 =	sld [smem:$0x3FD9]  }
0x89: {  	s3 =	sld [smem:$0x3FFE];
	_ =	sdelay $0x1  }
0x8a: {  	s1 =	srdreg.scid  }
0x8b: {  	s0 =	sand.u32 $0x1, s1  }
0x8c: {  	s18 =	sshll.u32 s0, $0xA;
	s2 =	sadd.s32 s3, s2  }
0x8d: {  	s2 =	sadd.s32 s2, s18  }
0x8e: {  	[smem:$0x3FC6] =	sst s2  }
0x8f: {  	_ = 	snop  }
0x90: {  	s2 =	sld [smem:$0x3FC9]  }
0x91: {  	s19 =	sld [smem:$0x3FC8]  }
0x92: {  	s4 =	sld [smem:$0x3FD0];
	(tm) =	ssettm $0x1  }
0x93: {  	s5 =	sld [smem:$0x3FFB];
	_ =	sdelay $0x3  }
0x94: {  	_ =	strace s5  }
0x95: {  	s5 =	sld [smem:$0x3FFC];
	_ =	sdelay $0x3  }
0x96: {  	_ =	strace s5  }
0x97: {  	s5 =	sld [smem:$0x3FFD];
	_ =	sdelay $0x3  }
0x98: {  	_ =	strace s5  }
0x99: {  	_ =	strace $0x8FFFFFFF  }
0x9a: {  	s20 =	sld [smem:$0x3FDB];
	_ =	sdelay $0x1  }
0x9b: {  	s6 =	simm.s32 $_scs_section_size  }
0x9c: {  	s7 =	simm.s32 $_size__tile_overlayer_lowered;
	s8 =	simm.s32 $_tile_overlayer_lowered  }
0x9d: {  	s23 =	simm.s32 $0x1BFF;
	s22 =	sshll.u32 s8, $0x1;
	s5 =	sadd.s32 s6, s20  }
0x9e: {  	s9 =	simm.s32 $0x0;
	s21 =	sshll.u32 s7, $0x1;
	s7 =	sadd.s32 s22, s5  }
0x9f: {  	[timem:s9], [sflag:s23] =	dma.local [hbm:s7], s21  }
0xa0: {  	_ =	swait.ge [sflag:s23], s21  }
0xa1: {  	s6 =	ssub.s32 $0x0, s21;
	[sflag:s23] =	ssyncset.done $0x0  }
0xa2: {  	[sflag:s23] =	ssyncadd.s32 s6;
	_ =	sdelay $0x1  }
0xa3: {  	s24 =	simm.s32 $0x1B8B  }
0xa4: {  	_ =	swait.ge [sflag:s24], $0x1  }
0xa5: {  	[sflag:s24] =	ssyncset.done $0x0  }
0xa6: {  	s25 =	simm.s32 $0x1B8E;
	[sflag:s24] =	ssyncadd.s32 $0xFFFFFFFF  }
0xa7: {  	s26 =	simm.s32 $execute0_lowered;
	[smem:$0x3FD2] =	sst s25  }
0xa8: {  	s6 =	sshll.u32 s26, $0x1;
	_ =	strace $0x80000046;
	[dreg:$0x1] =	wrdreg $0xFFFFFFFF  }
0xa9: {  	s28 =	simm.s32 $_size_execute0_lowered;
	s5 =	sadd.s32 s5, s6;
	[dreg:$0x0] =	wrdreg $0x0  }
0xaa: {  	s6 =	sshll.u32 s28, $0x1;
	[dreg:$0x2] =	wrdreg s5  }
0xab: {  	[dreg:$0x3] =	wrdreg s6  }
0xac: {  	[dreg:$0x4] =	wrdreg $0xC0  }
0xad: {  	_ =	task [dreg:s9], $0x5FFFF  }
0xae: {  	[dreg:$0x1] =	wrdreg $0xFFFFFFFF  }
0xaf: {  	[dreg:$0x0] =	wrdreg $0x60  }
0xb0: {  	[dreg:$0x2] =	wrdreg s2  }
0xb1: {  	[dreg:$0x3] =	wrdreg s19  }
0xb2: {  	[dreg:$0x4] =	wrdreg s4  }
0xb3: {  	[dreg:$0x5] =	wrdreg $0x9  }
0xb4: {  	_ =	task.clear_ibuf [dreg:s9], $0x6FFFF;
	_ =	strace $0x90000046  }
0xb5: {  	s29 =	simm.s32 $0x9;
	_ =	strace $0x80000048  }
0xb6: {  	_ =	swait.ge [sflag:s29], $0x1  }
0xb7: {  	[sflag:s29] =	ssyncadd.s32 $0xFFFFFFFF  }
0xb8: {  	_ =	strace $0x90000048  }
0xb9: {  	_ =	sfence  }
0xba: {  	s30 =	sld [smem:$0x0];
	_ =	sdelay $0x2  }
0xbb: {  	s31 =	sshll.u32 s1, $0xD;
	s1 =	sshrl.u32 s1, $0x2  }
0xbc: {  	s3 =	sand.u32 $0x4000, s31;
	s1 =	sadd.s32 s1, s30  }
0xbd: {  	s0 =	sor.u32 s3, s0;
	s1 =	sshll.u32 s1, $0x11  }
0xbe: {  	s0 =	sor.u32 s1, s0  }
0xbf: {  	s0 =	sadd.s32 $0x8F2B, s0  }
0xc0: {  	[sflag:s0] =	ssyncadd.remote.s32 $0x1  }
0xc1: {  	_ =	sfence.sel $0xFFFF  }
0xc2: {  	[dreg:$0x0] =	wrdreg $0xFFFFFFFF;
	(pc) =	sbr.abs _section_cstart, $3  }
0xc3: {  	[dreg:$0x1] =	wrdreg $0xFFFFFFFF  }
0xc4: {  	_ =	task.clear_ibuf [dreg:s9], $0x2FFFF;
	_ =	strace $0x9FFFFFFF  }
0xc5: {  	(tm) =	ssettm $0x7FFFFFFF  }
tec
execute0_lowered:
.L_overlay_start_1:
0x0: {  	(tag) =	ssettag $0x1  }
0x1: {  	s1 =	srdreg.scid  }
0x2: {  	s19 =	stileid.u32;
	s5 =	sand.u32 $0x1, s1  }
0x3: {  	s0 =	rddreg [dreg:$0x0];
	s20 =	sshll.u32 s19, $0x7;
	s3 =	sshll.u32 s5, $0x6  }
0x4: {  	s2 =	rddreg [dreg:$0x1];
	s1 =	sor.u32 s3, s20  }
0x5: {  	s4 =	rddreg [dreg:$0x2];
	s6 =	sshll.u32 s1, $0x6  }
0x6: {  	[dreg:$0x4] =	wrdreg s0;
	s3 =	simm.s32 $0x0;
	s4 =	sadd.s32 s4, s6  }
0x7: {  	[smem:$0x7FF] =	sst s3;
	s6 =	sadd.s32 $0x20000, s4  }
0x8: {  	_ =	strace $0x80000047;
	s21 =	sadd.s32 $0x40000, s4;
	[dreg:$0x5] =	wrdreg s6  }
0x9: {  	s22 =	sadd.s32 $0x60000, s4;
	[dreg:$0x6] =	wrdreg s21  }
0xa: {  	s23 =	sadd.s32 $0x80000, s4;
	[dreg:$0x7] =	wrdreg s22  }
0xb: {  	s24 =	sadd.s32 $0xA0000, s4;
	[dreg:$0x8] =	wrdreg s23  }
0xc: {  	s25 =	sadd.s32 $0xC0000, s4;
	[dreg:$0x9] =	wrdreg s24  }
0xd: {  	s26 =	sadd.s32 $0xE0000, s4;
	[dreg:$0xa] =	wrdreg s25  }
0xe: {  	s0 =	sadd.s32 $0x100000, s4;
	[dreg:$0xb] =	wrdreg s26  }
0xf: {  	s7 =	sadd.s32 $0x120000, s4;
	[dreg:$0xc] =	wrdreg s0  }
0x10: {  	s8 =	sadd.s32 $0x140000, s4;
	[dreg:$0xd] =	wrdreg s7  }
0x11: {  	s9 =	sadd.s32 $0x160000, s4;
	[dreg:$0xe] =	wrdreg s8  }
0x12: {  	s10 =	sadd.s32 $0x180000, s4;
	[dreg:$0xf] =	wrdreg s9  }
0x13: {  	s11 =	sadd.s32 $0x1A0000, s4;
	[dreg:$0x10] =	wrdreg s10  }
0x14: {  	s12 =	sadd.s32 $0x1C0000, s4;
	[dreg:$0x11] =	wrdreg s11  }
0x15: {  	s13 =	sadd.s32 $0x1E0000, s4;
	[dreg:$0x12] =	wrdreg s12  }
0x16: {  	s14 =	sadd.s32 $0x200000, s4;
	[dreg:$0x13] =	wrdreg s13  }
0x17: {  	s28 =	simm.s32 $0x6900;
	s15 =	sadd.s32 $0x220000, s4;
	[dreg:$0x14] =	wrdreg s14  }
0x18: {  	s29 =	simm.s32 $0x7100;
	s16 =	sadd.s32 $0x240000, s4;
	[dreg:$0x15] =	wrdreg s15  }
0x19: {  	s30 =	simm.s32 $0x7900;
	s17 =	sadd.s32 $0x260000, s4;
	[dreg:$0x16] =	wrdreg s16  }
0x1a: {  	s31 =	simm.s32 $0x1;
	s18 =	sadd.s32 $0x280000, s4;
	[dreg:$0x17] =	wrdreg s17  }
0x1b: {  	s5 =	ssub.s32 $0x2, s5;
	s19 =	sadd.s32 $0x2A0000, s4;
	[dreg:$0x18] =	wrdreg s18  }
0x1c: {  	s20 =	sadd.s32 $0x2C0000, s4;
	s7 =	sshrl.u32 s5, $0x1;
	[dreg:$0x19] =	wrdreg s19  }
0x1d: {  	s23 =	sor.u32 $0x10, s1;
	s24 =	sor.u32 $0x20, s1;
	[dreg:$0x1a] =	wrdreg s20  }
0x1e: {  	s21 =	sadd.s32 $0x2E0000, s4;
	s26 =	sor.u32 $0x30, s1;
	s22 =	sadd.s32 $0x300000, s4  }
0x1f: {  	s25 =	sadd.s32 $0x320000, s4;
	s6 =	sadd.s32 $0x340000, s4;
	s8 =	sadd.s32 $0x380000, s4  }
0x20: {  	s9 =	sadd.s32 $0x3A0000, s4;
	s10 =	sadd.s32 $0x3C0000, s4;
	s11 =	sadd.s32 $0x3E0000, s4  }
0x21: {  	s13 =	simm.s32 $0x3;
	s14 =	simm.s32 $0x100;
	s16 =	simm.s32 $0x1100  }
0x22: {  	v6 =	vlaneseq.u32;
	s17 =	simm.s32 $0x1900;
	s18 =	simm.s32 $0x2100;
	s19 =	simm.s32 $0x2900  }
0x23: {  	v0 =	vor.u32 s1, v6;
	s20 =	simm.s32 $0x3100;
	s1 =	simm.s32 $0x2;
	[dreg:$0x1b] =	wrdreg s21  }
0x24: {  	s12 =	ssub.s32 s5, s7;
	s5 =	sadd.s32 $0x100, s2;
	[dreg:$0x1c] =	wrdreg s22  }
0x25: {  	vm0 =	vmmov $0xffff;
	v4 =	vand.u32 $0x7, v6;
	[dreg:$0x1d] =	wrdreg s25;
	s7 =	sadd.s32 $0x360000, s4;
	s21 =	simm.s32 $0x3900  }
0x26: {  	v5 =	vshrl.u32 v6, $0x3;
	s22 =	simm.s32 $0x4100;
	v1 =	vor.u32 s23, v6;
	v2 =	vor.u32 s24, v6;
	s23 =	simm.s32 $0x4900;
	s24 =	simm.s32 $0x5100  }
0x27: {  	v5 =	vmul.u32 $0x8, v5;
	s25 =	simm.s32 $0x5900;
	v3 =	vor.u32 s26, v6;
	s26 =	simm.s32 $0x6100;
	v6 =	vor.u32 $0x8, v6;
	s12 =	smax.u32 s12, $0x1  }
.LBB2_1:
0x28: {  	s0 =	rddreg [dreg:$0x4]  }
0x29: {  	[tilespmem:s3], [sflag:$0x3] =	stream.linear.gather [hbm4b:s0+s3], $0x80, $0x38;
	[tilespmem:$0x8100] =	vst v63  }
0x2a: {  	_ =	swait.ge [sflag:s13], $0x80  }
0x2b: {  	[sflag:s13] =	ssyncset.done $0x0  }
0x2c: {  	[sflag:s13] =	ssyncadd.s32 $0xFFFFFF80  }
0x2d: {  	v7 =	vld [tilespmem:$0x0];
	_ =	sdelay $0x4  }
0x2e: {  	v7 =	vadd.s32 $0xFFFFF800, v7  }
0x2f: {  	v8 =	vadd.s32 v0, v7  }
0x30: {  	vm1 =	vgt.s32 v8, $0x0  }
0x31: {  	v8 =	vnsel vm1, $0x0, v8  }
0x32: {  	v8 =	vmin.u32 v8, $0x1FFF  }
0x33: {  	v9 =	vshll.u32 v8, $0x2  }
0x34: {  	v10 =	vand.u32 $0x7, v8;
	v9 =	vand.u32 $0x7FE0, v9  }
0x35: {  	v9 =	vor.u32 v10, v9  }
0x36: {  	v11 =	vadd.s32 v1, v7;
	v10 =	vperm.xlane v9, v4  }
0x37: {  	v12 =	vadd.s32 v2, v7;
	v7 =	vadd.s32 v3, v7;
	vm1 =	vgt.s32 v11, $0x0  }
0x38: {  	v11 =	vnsel vm1, $0x0, v11;
	vm1 =	vgt.s32 v12, $0x0;
	v10 =	vadd.s32 v5, v10  }
0x39: {  	[tilespmem:$0x80] =	vst v8;
	v8 =	vmin.u32 v11, $0x1FFF;
	v63 =	vnsel vm1, $0x0, v12;
	vm1 =	vgt.s32 v7, $0x0  }
0x3a: {  	[tilespmem:$0x90] =	vst v8;
	v7 =	vnsel vm1, $0x0, v7;
	v8 =	vmin.u32 v63, $0x1FFF;
	v9 =	vperm.xlane v9, v6  }
0x3b: {  	[tilespmem:$0xA0] =	vst v8;
	v7 =	vmin.u32 v7, $0x1FFF  }
0x3c: {  	[tilespmem:$0xB0] =	vst v7;
	v7 =	vadd.s32 v5, v9  }
0x3d: {  	[tilespmem:s14], [sflag:$0x1] =	stream.indirect_vreg.gather [hbm4b:s2+s3], $0x80, v10, vm0, $0xb8;
	[tilespmem:$0x8100] =	vst v63  }
0x3e: {  	s15 =	simm.s32 $0x900  }
0x3f: {  	[tilespmem:s15], [sflag:$0x1] =	stream.indirect_vreg.gather [hbm4b:s5+s3], $0x80, v10, vm0, $0xb8;
	[tilespmem:$0x8100] =	vst v63  }
0x40: {  	_ = 	snop  }
0x41: {  	[tilespmem:s16], [sflag:$0x1] =	stream.indirect_vreg.gather [hbm4b:s2+s3], $0x80, v7, vm0, $0xb8;
	[tilespmem:$0x8100] =	vst v63  }
0x42: {  	_ = 	snop  }
0x43: {  	[tilespmem:s17], [sflag:$0x1] =	stream.indirect_vreg.gather [hbm4b:s5+s3], $0x80, v7, vm0, $0xb8;
	[tilespmem:$0x8100] =	vst v63  }
0x44: {  	v7 =	vld [tilespmem:$0x90];
	_ =	sdelay $0x4  }
0x45: {  	v8 =	vshll.u32 v7, $0x2  }
0x46: {  	v7 =	vand.u32 $0x7, v7;
	v8 =	vand.u32 $0xFFFFFFE0, v8  }
0x47: {  	v7 =	vor.u32 v7, v8  }
0x48: {  	v8 =	vperm.xlane v7, v4;
	_ =	sdelay $0x1  }
0x49: {  	v8 =	vadd.s32 v5, v8;
	_ =	sdelay $0x1  }
0x4a: {  	v7 =	vperm.xlane v7, v6;
	_ =	sdelay $0x1  }
0x4b: {  	v7 =	vadd.s32 v5, v7  }
0x4c: {  	[tilespmem:s18], [sflag:$0x1] =	stream.indirect_vreg.gather [hbm4b:s2+s3], $0x80, v8, vm0, $0xb8;
	[tilespmem:$0x8100] =	vst v63  }
0x4d: {  	_ = 	snop  }
0x4e: {  	[tilespmem:s19], [sflag:$0x1] =	stream.indirect_vreg.gather [hbm4b:s5+s3], $0x80, v8, vm0, $0xb8;
	[tilespmem:$0x8100] =	vst v63  }
0x4f: {  	_ = 	snop  }
0x50: {  	[tilespmem:s20], [sflag:$0x1] =	stream.indirect_vreg.gather [hbm4b:s2+s3], $0x80, v7, vm0, $0xb8;
	[tilespmem:$0x8100] =	vst v63  }
0x51: {  	_ = 	snop  }
0x52: {  	[tilespmem:s21], [sflag:$0x1] =	stream.indirect_vreg.gather [hbm4b:s5+s3], $0x80, v7, vm0, $0xb8;
	[tilespmem:$0x8100] =	vst v63  }
0x53: {  	v7 =	vld [tilespmem:$0xA0];
	_ =	sdelay $0x4  }
0x54: {  	v8 =	vshll.u32 v7, $0x2  }
0x55: {  	v7 =	vand.u32 $0x7, v7;
	v8 =	vand.u32 $0xFFFFFFE0, v8  }
0x56: {  	v7 =	vor.u32 v7, v8  }
0x57: {  	v8 =	vperm.xlane v7, v4;
	_ =	sdelay $0x1  }
0x58: {  	v8 =	vadd.s32 v5, v8;
	_ =	sdelay $0x1  }
0x59: {  	v7 =	vperm.xlane v7, v6;
	_ =	sdelay $0x1  }
0x5a: {  	v7 =	vadd.s32 v5, v7  }
0x5b: {  	[tilespmem:s22], [sflag:$0x1] =	stream.indirect_vreg.gather [hbm4b:s2+s3], $0x80, v8, vm0, $0xb8;
	[tilespmem:$0x8100] =	vst v63  }
0x5c: {  	_ = 	snop  }
0x5d: {  	[tilespmem:s23], [sflag:$0x1] =	stream.indirect_vreg.gather [hbm4b:s5+s3], $0x80, v8, vm0, $0xb8;
	[tilespmem:$0x8100] =	vst v63  }
0x5e: {  	_ = 	snop  }
0x5f: {  	[tilespmem:s24], [sflag:$0x1] =	stream.indirect_vreg.gather [hbm4b:s2+s3], $0x80, v7, vm0, $0xb8;
	[tilespmem:$0x8100] =	vst v63  }
0x60: {  	_ = 	snop  }
0x61: {  	[tilespmem:s25], [sflag:$0x1] =	stream.indirect_vreg.gather [hbm4b:s5+s3], $0x80, v7, vm0, $0xb8;
	[tilespmem:$0x8100] =	vst v63  }
0x62: {  	v7 =	vld [tilespmem:$0xB0];
	_ =	sdelay $0x4  }
0x63: {  	v8 =	vshll.u32 v7, $0x2  }
0x64: {  	v7 =	vand.u32 $0x7, v7;
	v8 =	vand.u32 $0xFFFFFFE0, v8  }
0x65: {  	v7 =	vor.u32 v7, v8  }
0x66: {  	v8 =	vperm.xlane v7, v4;
	_ =	sdelay $0x1  }
0x67: {  	v8 =	vadd.s32 v5, v8;
	_ =	sdelay $0x1  }
0x68: {  	v7 =	vperm.xlane v7, v6;
	_ =	sdelay $0x1  }
0x69: {  	v7 =	vadd.s32 v5, v7  }
0x6a: {  	[tilespmem:s26], [sflag:$0x1] =	stream.indirect_vreg.gather [hbm4b:s2+s3], $0x80, v8, vm0, $0xb8;
	[tilespmem:$0x8100] =	vst v63  }
0x6b: {  	_ = 	snop  }
0x6c: {  	[tilespmem:s28], [sflag:$0x1] =	stream.indirect_vreg.gather [hbm4b:s5+s3], $0x80, v8, vm0, $0xb8;
	[tilespmem:$0x8100] =	vst v63  }
0x6d: {  	_ = 	snop  }
0x6e: {  	[tilespmem:s29], [sflag:$0x1] =	stream.indirect_vreg.gather [hbm4b:s2+s3], $0x80, v7, vm0, $0xb8;
	[tilespmem:$0x8100] =	vst v63  }
0x6f: {  	_ = 	snop  }
0x70: {  	[tilespmem:s30], [sflag:$0x1] =	stream.indirect_vreg.gather [hbm4b:s5+s3], $0x80, v7, vm0, $0xb8;
	[tilespmem:$0x8100] =	vst v63  }
0x71: {  	_ =	swait.ge [sflag:s31], $0x8000  }
0x72: {  	[sflag:s31] =	ssyncset.done $0x0  }
0x73: {  	[sflag:s31] =	ssyncadd.s32 $0xFFFF8000  }
0x74: {  	[hbm4b:s4+s3] =	stream.linear.scatter [tilespmem:s14], [sflag:$0x2], $0x8000, $0x38;
	[tilespmem:$0x8100] =	vst v63  }
0x75: {  	s0 =	rddreg [dreg:$0x5]  }
0x76: {  	[hbm4b:s0+s3] =	stream.linear.scatter [tilespmem:s14], [sflag:$0x2], $0x8000, $0x38;
	[tilespmem:$0x8100] =	vst v63  }
0x77: {  	s15 =	rddreg [dreg:$0x6]  }
0x78: {  	[hbm4b:s15+s3] =	stream.linear.scatter [tilespmem:s14], [sflag:$0x2], $0x8000, $0x38;
	[tilespmem:$0x8100] =	vst v63  }
0x79: {  	s0 =	rddreg [dreg:$0x7]  }
0x7a: {  	[hbm4b:s0+s3] =	stream.linear.scatter [tilespmem:s14], [sflag:$0x2], $0x8000, $0x38;
	[tilespmem:$0x8100] =	vst v63  }
0x7b: {  	s15 =	rddreg [dreg:$0x8]  }
0x7c: {  	[hbm4b:s15+s3] =	stream.linear.scatter [tilespmem:s14], [sflag:$0x2], $0x8000, $0x38;
	[tilespmem:$0x8100] =	vst v63  }
0x7d: {  	s0 =	rddreg [dreg:$0x9]  }
0x7e: {  	[hbm4b:s0+s3] =	stream.linear.scatter [tilespmem:s14], [sflag:$0x2], $0x8000, $0x38;
	[tilespmem:$0x8100] =	vst v63  }
0x7f: {  	s15 =	rddreg [dreg:$0xa]  }
0x80: {  	[hbm4b:s15+s3] =	stream.linear.scatter [tilespmem:s14], [sflag:$0x2], $0x8000, $0x38;
	[tilespmem:$0x8100] =	vst v63  }
0x81: {  	s0 =	rddreg [dreg:$0xb]  }
0x82: {  	[hbm4b:s0+s3] =	stream.linear.scatter [tilespmem:s14], [sflag:$0x2], $0x8000, $0x38;
	[tilespmem:$0x8100] =	vst v63  }
0x83: {  	s15 =	rddreg [dreg:$0xc]  }
0x84: {  	[hbm4b:s15+s3] =	stream.linear.scatter [tilespmem:s14], [sflag:$0x2], $0x8000, $0x38;
	[tilespmem:$0x8100] =	vst v63  }
0x85: {  	s0 =	rddreg [dreg:$0xd]  }
0x86: {  	[hbm4b:s0+s3] =	stream.linear.scatter [tilespmem:s14], [sflag:$0x2], $0x8000, $0x38;
	[tilespmem:$0x8100] =	vst v63  }
0x87: {  	s15 =	rddreg [dreg:$0xe]  }
0x88: {  	[hbm4b:s15+s3] =	stream.linear.scatter [tilespmem:s14], [sflag:$0x2], $0x8000, $0x38;
	[tilespmem:$0x8100] =	vst v63  }
0x89: {  	s0 =	rddreg [dreg:$0xf]  }
0x8a: {  	[hbm4b:s0+s3] =	stream.linear.scatter [tilespmem:s14], [sflag:$0x2], $0x8000, $0x38;
	[tilespmem:$0x8100] =	vst v63  }
0x8b: {  	s15 =	rddreg [dreg:$0x10]  }
0x8c: {  	[hbm4b:s15+s3] =	stream.linear.scatter [tilespmem:s14], [sflag:$0x2], $0x8000, $0x38;
	[tilespmem:$0x8100] =	vst v63  }
0x8d: {  	s0 =	rddreg [dreg:$0x11]  }
0x8e: {  	[hbm4b:s0+s3] =	stream.linear.scatter [tilespmem:s14], [sflag:$0x2], $0x8000, $0x38;
	[tilespmem:$0x8100] =	vst v63  }
0x8f: {  	s15 =	rddreg [dreg:$0x12]  }
0x90: {  	[hbm4b:s15+s3] =	stream.linear.scatter [tilespmem:s14], [sflag:$0x2], $0x8000, $0x38;
	[tilespmem:$0x8100] =	vst v63  }
0x91: {  	s0 =	rddreg [dreg:$0x13]  }
0x92: {  	[hbm4b:s0+s3] =	stream.linear.scatter [tilespmem:s14], [sflag:$0x2], $0x8000, $0x38;
	[tilespmem:$0x8100] =	vst v63  }
0x93: {  	s15 =	rddreg [dreg:$0x14]  }
0x94: {  	[hbm4b:s15+s3] =	stream.linear.scatter [tilespmem:s14], [sflag:$0x2], $0x8000, $0x38;
	[tilespmem:$0x8100] =	vst v63  }
0x95: {  	s0 =	rddreg [dreg:$0x15]  }
0x96: {  	[hbm4b:s0+s3] =	stream.linear.scatter [tilespmem:s14], [sflag:$0x2], $0x8000, $0x38;
	[tilespmem:$0x8100] =	vst v63  }
0x97: {  	s15 =	rddreg [dreg:$0x16]  }
0x98: {  	[hbm4b:s15+s3] =	stream.linear.scatter [tilespmem:s14], [sflag:$0x2], $0x8000, $0x38;
	[tilespmem:$0x8100] =	vst v63  }
0x99: {  	s0 =	rddreg [dreg:$0x17]  }
0x9a: {  	[hbm4b:s0+s3] =	stream.linear.scatter [tilespmem:s14], [sflag:$0x2], $0x8000, $0x38;
	[tilespmem:$0x8100] =	vst v63  }
0x9b: {  	s15 =	rddreg [dreg:$0x18]  }
0x9c: {  	[hbm4b:s15+s3] =	stream.linear.scatter [tilespmem:s14], [sflag:$0x2], $0x8000, $0x38;
	[tilespmem:$0x8100] =	vst v63  }
0x9d: {  	s0 =	rddreg [dreg:$0x19]  }
0x9e: {  	[hbm4b:s0+s3] =	stream.linear.scatter [tilespmem:s14], [sflag:$0x2], $0x8000, $0x38;
	[tilespmem:$0x8100] =	vst v63  }
0x9f: {  	s15 =	rddreg [dreg:$0x1a]  }
0xa0: {  	[hbm4b:s15+s3] =	stream.linear.scatter [tilespmem:s14], [sflag:$0x2], $0x8000, $0x38;
	[tilespmem:$0x8100] =	vst v63  }
0xa1: {  	s0 =	rddreg [dreg:$0x1b]  }
0xa2: {  	[hbm4b:s0+s3] =	stream.linear.scatter [tilespmem:s14], [sflag:$0x2], $0x8000, $0x38;
	[tilespmem:$0x8100] =	vst v63  }
0xa3: {  	s15 =	rddreg [dreg:$0x1c]  }
0xa4: {  	[hbm4b:s15+s3] =	stream.linear.scatter [tilespmem:s14], [sflag:$0x2], $0x8000, $0x38;
	[tilespmem:$0x8100] =	vst v63  }
0xa5: {  	s0 =	rddreg [dreg:$0x1d]  }
0xa6: {  	[hbm4b:s0+s3] =	stream.linear.scatter [tilespmem:s14], [sflag:$0x2], $0x8000, $0x38;
	[tilespmem:$0x8100] =	vst v63  }
0xa7: {  	_ = 	snop  }
0xa8: {  	[hbm4b:s6+s3] =	stream.linear.scatter [tilespmem:s14], [sflag:$0x2], $0x8000, $0x38;
	[tilespmem:$0x8100] =	vst v63  }
0xa9: {  	_ = 	snop  }
0xaa: {  	[hbm4b:s7+s3] =	stream.linear.scatter [tilespmem:s14], [sflag:$0x2], $0x8000, $0x38;
	[tilespmem:$0x8100] =	vst v63  }
0xab: {  	_ = 	snop  }
0xac: {  	[hbm4b:s8+s3] =	stream.linear.scatter [tilespmem:s14], [sflag:$0x2], $0x8000, $0x38;
	[tilespmem:$0x8100] =	vst v63  }
0xad: {  	_ = 	snop  }
0xae: {  	[hbm4b:s9+s3] =	stream.linear.scatter [tilespmem:s14], [sflag:$0x2], $0x8000, $0x38;
	[tilespmem:$0x8100] =	vst v63  }
0xaf: {  	_ = 	snop  }
0xb0: {  	[hbm4b:s10+s3] =	stream.linear.scatter [tilespmem:s14], [sflag:$0x2], $0x8000, $0x38;
	[tilespmem:$0x8100] =	vst v63  }
0xb1: {  	_ = 	snop  }
0xb2: {  	[hbm4b:s11+s3] =	stream.linear.scatter [tilespmem:s14], [sflag:$0x2], $0x8000, $0x38;
	[tilespmem:$0x8100] =	vst v63  }
0xb3: {  	_ =	swait.ge [sflag:s1], $0x8000  }
0xb4: {  	[sflag:s1] =	ssyncset.done $0x0  }
0xb5: {  	[sflag:s1] =	ssyncadd.s32 $0xFFFF8000  }
0xb6: {  	_ =	swait.ge [sflag:s1], $0x8000  }
0xb7: {  	[sflag:s1] =	ssyncset.done $0x0  }
0xb8: {  	[sflag:s1] =	ssyncadd.s32 $0xFFFF8000  }
0xb9: {  	_ =	swait.ge [sflag:s1], $0x8000  }
0xba: {  	[sflag:s1] =	ssyncset.done $0x0  }
0xbb: {  	[sflag:s1] =	ssyncadd.s32 $0xFFFF8000  }
0xbc: {  	_ =	swait.ge [sflag:s1], $0x8000  }
0xbd: {  	[sflag:s1] =	ssyncset.done $0x0  }
0xbe: {  	[sflag:s1] =	ssyncadd.s32 $0xFFFF8000  }
0xbf: {  	_ =	swait.ge [sflag:s1], $0x8000  }
0xc0: {  	[sflag:s1] =	ssyncset.done $0x0  }
0xc1: {  	[sflag:s1] =	ssyncadd.s32 $0xFFFF8000  }
0xc2: {  	_ =	swait.ge [sflag:s1], $0x8000  }
0xc3: {  	[sflag:s1] =	ssyncset.done $0x0  }
0xc4: {  	[sflag:s1] =	ssyncadd.s32 $0xFFFF8000  }
0xc5: {  	_ =	swait.ge [sflag:s1], $0x8000  }
0xc6: {  	[sflag:s1] =	ssyncset.done $0x0  }
0xc7: {  	[sflag:s1] =	ssyncadd.s32 $0xFFFF8000  }
0xc8: {  	_ =	swait.ge [sflag:s1], $0x8000  }
0xc9: {  	[sflag:s1] =	ssyncset.done $0x0  }
0xca: {  	[sflag:s1] =	ssyncadd.s32 $0xFFFF8000  }
0xcb: {  	_ =	swait.ge [sflag:s1], $0x8000  }
0xcc: {  	[sflag:s1] =	ssyncset.done $0x0  }
0xcd: {  	[sflag:s1] =	ssyncadd.s32 $0xFFFF8000  }
0xce: {  	_ =	swait.ge [sflag:s1], $0x8000  }
0xcf: {  	[sflag:s1] =	ssyncset.done $0x0  }
0xd0: {  	[sflag:s1] =	ssyncadd.s32 $0xFFFF8000  }
0xd1: {  	_ =	swait.ge [sflag:s1], $0x8000  }
0xd2: {  	[sflag:s1] =	ssyncset.done $0x0  }
0xd3: {  	[sflag:s1] =	ssyncadd.s32 $0xFFFF8000  }
0xd4: {  	_ =	swait.ge [sflag:s1], $0x8000  }
0xd5: {  	[sflag:s1] =	ssyncset.done $0x0  }
0xd6: {  	[sflag:s1] =	ssyncadd.s32 $0xFFFF8000  }
0xd7: {  	_ =	swait.ge [sflag:s1], $0x8000  }
0xd8: {  	[sflag:s1] =	ssyncset.done $0x0  }
0xd9: {  	[sflag:s1] =	ssyncadd.s32 $0xFFFF8000  }
0xda: {  	_ =	swait.ge [sflag:s1], $0x8000  }
0xdb: {  	[sflag:s1] =	ssyncset.done $0x0  }
0xdc: {  	[sflag:s1] =	ssyncadd.s32 $0xFFFF8000  }
0xdd: {  	_ =	swait.ge [sflag:s1], $0x8000  }
0xde: {  	[sflag:s1] =	ssyncset.done $0x0  }
0xdf: {  	[sflag:s1] =	ssyncadd.s32 $0xFFFF8000  }
0xe0: {  	_ =	swait.ge [sflag:s1], $0x8000  }
0xe1: {  	[sflag:s1] =	ssyncset.done $0x0  }
0xe2: {  	[sflag:s1] =	ssyncadd.s32 $0xFFFF8000  }
0xe3: {  	_ =	swait.ge [sflag:s1], $0x8000  }
0xe4: {  	[sflag:s1] =	ssyncset.done $0x0  }
0xe5: {  	[sflag:s1] =	ssyncadd.s32 $0xFFFF8000  }
0xe6: {  	_ =	swait.ge [sflag:s1], $0x8000  }
0xe7: {  	[sflag:s1] =	ssyncset.done $0x0  }
0xe8: {  	[sflag:s1] =	ssyncadd.s32 $0xFFFF8000  }
0xe9: {  	_ =	swait.ge [sflag:s1], $0x8000  }
0xea: {  	[sflag:s1] =	ssyncset.done $0x0  }
0xeb: {  	[sflag:s1] =	ssyncadd.s32 $0xFFFF8000  }
0xec: {  	_ =	swait.ge [sflag:s1], $0x8000  }
0xed: {  	[sflag:s1] =	ssyncset.done $0x0  }
0xee: {  	[sflag:s1] =	ssyncadd.s32 $0xFFFF8000  }
0xef: {  	_ =	swait.ge [sflag:s1], $0x8000  }
0xf0: {  	[sflag:s1] =	ssyncset.done $0x0  }
0xf1: {  	[sflag:s1] =	ssyncadd.s32 $0xFFFF8000  }
0xf2: {  	_ =	swait.ge [sflag:s1], $0x8000  }
0xf3: {  	[sflag:s1] =	ssyncset.done $0x0  }
0xf4: {  	[sflag:s1] =	ssyncadd.s32 $0xFFFF8000  }
0xf5: {  	_ =	swait.ge [sflag:s1], $0x8000  }
0xf6: {  	[sflag:s1] =	ssyncset.done $0x0  }
0xf7: {  	[sflag:s1] =	ssyncadd.s32 $0xFFFF8000  }
0xf8: {  	_ =	swait.ge [sflag:s1], $0x8000  }
0xf9: {  	[sflag:s1] =	ssyncset.done $0x0  }
0xfa: {  	[sflag:s1] =	ssyncadd.s32 $0xFFFF8000  }
0xfb: {  	_ =	swait.ge [sflag:s1], $0x8000  }
0xfc: {  	[sflag:s1] =	ssyncset.done $0x0  }
0xfd: {  	[sflag:s1] =	ssyncadd.s32 $0xFFFF8000  }
0xfe: {  	_ =	swait.ge [sflag:s1], $0x8000  }
0xff: {  	[sflag:s1] =	ssyncset.done $0x0  }
0x100: {  	[sflag:s1] =	ssyncadd.s32 $0xFFFF8000  }
0x101: {  	_ =	swait.ge [sflag:s1], $0x8000  }
0x102: {  	[sflag:s1] =	ssyncset.done $0x0  }
0x103: {  	[sflag:s1] =	ssyncadd.s32 $0xFFFF8000  }
0x104: {  	_ =	swait.ge [sflag:s1], $0x8000  }
0x105: {  	[sflag:s1] =	ssyncset.done $0x0  }
0x106: {  	[sflag:s1] =	ssyncadd.s32 $0xFFFF8000  }
0x107: {  	_ =	swait.ge [sflag:s1], $0x8000  }
0x108: {  	[sflag:s1] =	ssyncset.done $0x0  }
0x109: {  	[sflag:s1] =	ssyncadd.s32 $0xFFFF8000  }
0x10a: {  	_ =	swait.ge [sflag:s1], $0x8000  }
0x10b: {  	[sflag:s1] =	ssyncset.done $0x0  }
0x10c: {  	[sflag:s1] =	ssyncadd.s32 $0xFFFF8000  }
0x10d: {  	p0 =	sne.s32 s12, $0x1;
	_ =	swait.ge [sflag:s1], $0x8000  }
.Ltmp0:
0x10e: {  	[sflag:s1] =	ssyncset.done $0x0;
	(pc) =	sbr.rel @p0 .LBB2_1-.Ltmp0, $4  }
0x10f: {  	[sflag:s1] =	ssyncadd.s32 $0xFFFF8000  }
0x110: {  	_ =	swait.ge [sflag:s1], $0x8000  }
0x111: {  	[sflag:s1] =	ssyncset.done $0x0  }
0x112: {  	s12 =	sadd.s32 $0xFFFFFFFF, s12;
	[sflag:s1] =	ssyncadd.s32 $0xFFFF8000  }
0x113: {  	_ =	sfence.sel $0x180000  }
0x114: {  	[bflag:$0x0] =	sbarrier.arrive $0xFFFF  }
0x115: {  	_ =	strace $0x90000047  }
0x116: {  	s0 =	stileid.u32;
	[bflag:$0x2] =	sbarrier.arrive $0xFFFF  }
0x117: {  	p0 =	sne.s32 s0, $0x0;
	s0 =	rddreg [dreg:$0x3]  }
0x118: {  	s0 =	sadd.s32 @!p0 $0x100000, s0  }
0x119: {  	[sflag:s0] =	ssyncadd.tile.s32 @!p0 $0x1;
	_ =	shalt  }
.Lfunc_end2:
_tile_overlayer_lowered:
.L_overlay_start_2:
0x11a: {  	(tag) =	ssettag $0x2  }
0x11b: {  	s0 =	rddreg [dreg:$0x0];
	s2 =	stileid.u32  }
0x11c: {  	s1 =	rddreg [dreg:$0x1];
	p0 =	sne.s32 s2, $0x0  }
0x11d: {  	s3 =	rddreg [dreg:$0x2];
	[bflag:$0x3] =	sbarrier.arrive $0xFFFF;
	s2 =	simm.s32 @!p0 $0x1C03  }
0x11e: {  	[timem:s3], [sflag:s2] =	dma.local @!p0 [hbm:s0], s1  }
0x11f: {  	s0 =	simm.s32 @!p0 $0x3  }
0x120: {  	_ =	swait.ge @!p0 [sflag:s0], s1  }
0x121: {  	s1 =	ssub.s32 @!p0 $0x0, s1;
	[sflag:s0] =	ssyncset.done @!p0 $0x0  }
0x122: {  	[sflag:s0] =	ssyncadd.s32 @!p0 s1  }
0x123: {  	[bflag:$0x3] =	sbarrier.arrive $0xFFFF  }
0x124: {  	_ =	shalt  }

</sc_bundles>
